<compile_context>
chip_gen: v7x
topology: tpu7x:2x2x1
jax: 0.10.2.dev20260603
libtpu: 0.0.44.dev20260713+nightly
codegen_flags: <defaults>
</compile_context>

<pallas_src>
import functools

import jax
import jax.numpy as jnp
from jax import lax
from jax.experimental import pallas as pl
from jax.experimental.pallas import tpu as pltpu
from jax.experimental.pallas import tpu_sc as plsc

_NC = 2
_NS = 16
_NW = _NC * _NS
_CH = 128
_NBUF = 2


def _edge_body(m_ref, rbft_ref, w_ref, x_ref):
    mlp_rbf = lax.dot_general(rbft_ref[...], w_ref[...],
                              (((0,), (0,)), ((), ())),
                              preferred_element_type=jnp.float32,
                              precision=lax.Precision.DEFAULT)
    x_ref[...] = m_ref[...] * mlp_rbf


def _edge_stage(m, rbf_t, W_rbf, row0, nrows, be=6400):
    d = m.shape[1]
    r = rbf_t.shape[0]
    blk0 = row0 // be
    return pl.pallas_call(
        _edge_body,
        grid=(nrows // be,),
        in_specs=[
            pl.BlockSpec((be, d), lambda i: (i + blk0, 0)),
            pl.BlockSpec((r, be), lambda i: (0, i + blk0)),
            pl.BlockSpec((r, d), lambda i: (0, 0)),
        ],
        out_specs=pl.BlockSpec((be, d), lambda i: (i, 0)),
        out_shape=jax.ShapeDtypeStruct((nrows, d), jnp.float32),
    )(m, rbf_t, W_rbf)


def _sc_segment_sum(x, id_j, n_atoms):
    e, d = x.shape
    nrow = e // _CH
    rpw = (-(-nrow // _NW) + 7) // 8 * 8
    tail_rows = nrow - (_NW - 1) * rpw
    assert tail_rows > 0 and rpw % _NBUF == 0 and tail_rows % _NBUF == 0
    rpt = (n_atoms // _NS) // 8 * 8
    tail = n_atoms - (_NS - 1) * rpt
    idj2 = id_j.astype(jnp.int32).reshape(nrow, _CH)
    idj2 = jnp.pad(idj2, ((0, _NW * rpw - nrow), (0, 0)))
    zeros = jnp.zeros((n_atoms, d), jnp.float32)
    mesh = plsc.VectorSubcoreMesh(core_axis_name="c", subcore_axis_name="s")

    @functools.partial(
        pl.kernel,
        out_type=jax.ShapeDtypeStruct((_NC, n_atoms, d), jnp.float32),
        mesh=mesh,
        scratch_types=[
            pltpu.VMEM((rpw, _CH), jnp.int32),
            [pltpu.VMEM((_CH, d), jnp.float32) for _ in range(_NBUF)],
            [pltpu.SemaphoreType.DMA for _ in range(_NBUF)],
            [pltpu.SemaphoreType.DMA for _ in range(_NBUF)],
            pltpu.VMEM_SHARED((n_atoms, d), jnp.float32),
        ],
    )
    def sc_kernel(x_hbm, idj_hbm, z_hbm, out_hbm,
                  idx_v, rows, sg, ss, acc_sh):
        c = lax.axis_index("c")
        s = lax.axis_index("s")
        wid = s * _NC + c
        base_row = wid * rpw
        niter = jnp.where(wid == _NW - 1, tail_rows, rpw) // _NBUF

        @pl.when(s < _NS - 1)
        def _():
            pltpu.sync_copy(z_hbm.at[pl.ds(s * rpt, rpt)],
                            acc_sh.at[pl.ds(s * rpt, rpt)])

        @pl.when(s == _NS - 1)
        def _():
            pltpu.sync_copy(z_hbm.at[pl.ds((_NS - 1) * rpt, tail)],
                            acc_sh.at[pl.ds((_NS - 1) * rpt, tail)])

        pltpu.sync_copy(idj_hbm.at[pl.ds(base_row, rpw)], idx_v)

        nrows_w = niter * _NBUF

        def gather(r, b):
            pltpu.async_copy(x_hbm.at[pl.ds((base_row + r) * _CH, _CH)],
                             rows[b], sg[b])

        for b in range(_NBUF):
            gather(b, b)
        plsc.subcore_barrier()

        def body(k, carry):
            r0 = k * _NBUF
            for b in range(_NBUF):
                pltpu.make_async_copy(
                    x_hbm.at[pl.ds((base_row + r0 + b) * _CH, _CH)],
                    rows[b], sg[b]).wait()
                pltpu.async_copy(rows[b], acc_sh.at[idx_v.at[r0 + b]], ss[b],
                                 add=True)
            for b in range(_NBUF):
                r = r0 + b
                pltpu.make_async_copy(rows[b], acc_sh.at[idx_v.at[r]],
                                      ss[b]).wait()

                @pl.when(r + _NBUF < nrows_w)
                def _():
                    gather(r + _NBUF, b)

            return carry

        lax.fori_loop(0, niter, body, 0)
        plsc.subcore_barrier()

        @pl.when(s < _NS - 1)
        def _():
            pltpu.sync_copy(acc_sh.at[pl.ds(s * rpt, rpt)],
                            out_hbm.at[c, pl.ds(s * rpt, rpt)])

        @pl.when(s == _NS - 1)
        def _():
            pltpu.sync_copy(acc_sh.at[pl.ds((_NS - 1) * rpt, tail)],
                            out_hbm.at[c, pl.ds((_NS - 1) * rpt, tail)])

    return sc_kernel(x, idj2, zeros)


def _mlp_body(p1_ref, p2_ref, w1_ref, a0_ref, a1_ref, b0_ref, b1_ref,
              out_ref):
    scale = 1.0 / 0.6
    inv_sqrt2 = 0.7071067811865476

    def mm(a, w_ref):
        return jnp.dot(a, w_ref[...], preferred_element_type=jnp.float32,
                       precision=lax.Precision.DEFAULT)

    def ssilu(v):
        return v * jax.nn.sigmoid(v) * scale

    x2 = (p1_ref[0] + p1_ref[1]) + (p2_ref[0] + p2_ref[1])
    x = ssilu(mm(x2, w1_ref))
    y = ssilu(mm(ssilu(mm(x, a0_ref)), a1_ref))
    x = (x + y) * inv_sqrt2
    y = ssilu(mm(ssilu(mm(x, b0_ref)), b1_ref))
    x = (x + y) * inv_sqrt2
    out_ref[...] = x


def _mlp_stage(parts1, parts2, W1, res_Ws, bn=2000):
    _, n, d = parts1.shape
    pspec = pl.BlockSpec((_NC, bn, d), lambda i: (0, i, 0))
    wspec = pl.BlockSpec((d, d), lambda i: (0, 0))
    return pl.pallas_call(
        _mlp_body,
        grid=(n // bn,),
        in_specs=[pspec, pspec, wspec, wspec, wspec, wspec, wspec],
        out_specs=pl.BlockSpec((bn, d), lambda i: (i, 0)),
        out_shape=jax.ShapeDtypeStruct((n, d), jnp.float32),
    )(parts1, parts2, W1, *res_Ws)


def kernel(h, m, rbf, id_j, W_rbf, W1, res_Ws):
    n_atoms = h.shape[0]
    e = m.shape[0]
    half = e // 2
    rbf_t = rbf.T
    x1 = _edge_stage(m, rbf_t, W_rbf, 0, half)
    parts1 = _sc_segment_sum(x1, id_j[:half], n_atoms)
    x2 = _edge_stage(m, rbf_t, W_rbf, half, half)
    parts2 = _sc_segment_sum(x2, id_j[half:], n_atoms)
    return _mlp_stage(parts1, parts2, W1, res_Ws)

# --- scband reference (transcript-rebuilt; emitter-appended) ---
"""Pipeline reference for scband-atom-update-block-34797825032828 (READ-ONLY COPY).

The authoritative reference and input builder live on the scoring server;
editing this copy changes nothing except your own understanding.
"""

import jax, jax.numpy as jnp
import numpy as np

N_ATOMS = 10000
N_EDGES = 320000
EMB_ATOM = 128
EMB_EDGE = 128
EMB_RBF = 16
N_HIDDEN = 2


def scaled_silu(x):
    # GemNet ScaledSiLU: silu(x) * 1/0.6
    return jax.nn.silu(x) * (1.0 / 0.6)


def _glorot(k, fan_in, fan_out):
    lim = np.sqrt(6.0 / (fan_in + fan_out))
    return jax.random.uniform(k, (fan_in, fan_out), jnp.float32, -lim, lim)


def setup_inputs(seed: int = 0) -> dict:
    key = jax.random.key(seed)
    ks = jax.random.split(key, 10)
    h = jax.random.normal(ks[0], (N_ATOMS, EMB_ATOM), jnp.float32)
    m = jax.random.normal(ks[1], (N_EDGES, EMB_EDGE), jnp.float32)
    rbf = jax.random.normal(ks[2], (N_EDGES, EMB_RBF), jnp.float32)
    id_j = jax.random.randint(ks[3], (N_EDGES,), 0, N_ATOMS)
    W_rbf = _glorot(ks[4], EMB_RBF, EMB_EDGE)   # dense_rbf, no bias, no activation
    W1 = _glorot(ks[5], EMB_EDGE, EMB_ATOM)     # first dense in MLP
    res_Ws = [_glorot(ks[6 + i], EMB_ATOM, EMB_ATOM) for i in range(N_HIDDEN * 2)]
    return {"h": h, "m": m, "rbf": rbf, "id_j": id_j, "W_rbf": W_rbf, "W1": W1, "res_Ws": res_Ws}


def reference(h, m, rbf, id_j, W_rbf, W1, res_Ws):
    nAtoms = h.shape[0]
    # dense_rbf: Linear(emb_size_rbf -> emb_size_edge), bias=False, activation=None
    mlp_rbf = rbf @ W_rbf
    x = m * mlp_rbf
    # scatter-add edge messages to atoms
    x2 = jax.ops.segment_sum(x, id_j, num_segments=nAtoms)
    # ScalingFactor with scale_file=None -> scale factor 1.0
    x = x2
    # dense1 with scaled-silu activation
    x = scaled_silu(x @ W1)
    inv_sqrt2 = 1.0 / np.sqrt(2.0)
    # residual layers: nLayers=2 dense sublayers each, output (x + mlp(x)) / sqrt(2)
    for i in range(0, len(res_Ws), 2):
        y = scaled_silu(x @ res_Ws[i])
        y = scaled_silu(y @ res_Ws[i + 1])
        x = (x + y) * inv_sqrt2
    return x

if __name__ == "__main__":
    import jax
    _d = setup_inputs()
    print(jax.jit(kernel)(*tuple(_d.values())))

</pallas_src>

<mosaic_0001>
#map = affine_map<(d0, d1) -> (0, 0)>
#map1 = affine_map<(d0, d1) -> (0, 0, 0)>
module attributes {stable_mosaic.version = 14 : i64} {
  func.func @sc_kernel(%arg0: i32, %arg1: i32, %arg2: memref<160000x128xf32, #tpu.memory_space<hbm>>, %arg3: memref<1280x128xi32, #tpu.memory_space<hbm>>, %arg4: memref<10000x128xf32, #tpu.memory_space<hbm>>, %arg5: memref<2x10000x128xf32, #tpu.memory_space<hbm>>, %arg6: memref<40x128xi32, #tpu.memory_space<vmem>>, %arg7: memref<128x128xf32, #tpu.memory_space<vmem>>, %arg8: memref<128x128xf32, #tpu.memory_space<vmem>>, %arg9: memref<!tpu.dma_semaphore, #tpu.memory_space<semaphore_mem>>, %arg10: memref<!tpu.dma_semaphore, #tpu.memory_space<semaphore_mem>>, %arg11: memref<!tpu.dma_semaphore, #tpu.memory_space<semaphore_mem>>, %arg12: memref<!tpu.dma_semaphore, #tpu.memory_space<semaphore_mem>>, %arg13: memref<10000x128xf32, #tpu.memory_space<vmem_shared>>) attributes {dimension_semantics = [#tpu.dimension_semantics<core_parallel>, #tpu.dimension_semantics<subcore_parallel>], iteration_bounds = array<i64: 2, 16>, scalar_prefetch = 0 : i64, scratch_operands = 8 : i64, tpu.core_type = #tpu.core_type<sc_vector_subcore>, window_params = [{transform_indices = #map}, {transform_indices = #map}, {transform_indices = #map}, {transform_indices = #map1}]} {
    %mul3A = arith.constant 2 : i32
    %mul3A_0 = arith.muli %arg1, %mul3A : i32
    %add3A = arith.addi %mul3A_0, %arg0 : i32
    %mul3A_1 = arith.constant 40 : i32
    %mul3A_2 = arith.muli %add3A, %mul3A_1 : i32
    %eq3A = arith.constant 31 : i32
    %eq3A_3 = arith.cmpi eq, %add3A, %eq3A : i32
    %jit3A = arith.constant 10 : i32
    %jit3A_4 = arith.constant 40 : i32
    %select_n3A = arith.select %eq3A_3, %jit3A, %jit3A_4 : i32
    %jit3A_5 = arith.constant 2 : i32
    %div3A = arith.divsi %select_n3A, %jit3A_5 : i32
    %sign3A = arith.constant 0 : i32
    %sign3A_6 = arith.cmpi sgt, %select_n3A, %sign3A : i32
    %sign3A_7 = arith.extui %sign3A_6 : i1 to i32
    %sign3A_8 = arith.constant 0 : i32
    %sign3A_9 = arith.cmpi slt, %select_n3A, %sign3A_8 : i32
    %sign3A_10 = arith.extui %sign3A_9 : i1 to i32
    %sign3A_11 = arith.subi %sign3A_7, %sign3A_10 : i32
    %sign3A_12 = arith.constant 0 : i32
    %sign3A_13 = arith.cmpi sgt, %jit3A_5, %sign3A_12 : i32
    %sign3A_14 = arith.extui %sign3A_13 : i1 to i32
    %sign3A_15 = arith.constant 0 : i32
    %sign3A_16 = arith.cmpi slt, %jit3A_5, %sign3A_15 : i32
    %sign3A_17 = arith.extui %sign3A_16 : i1 to i32
    %sign3A_18 = arith.subi %sign3A_14, %sign3A_17 : i32
    %ne3A = arith.cmpi ne, %sign3A_11, %sign3A_18 : i32
    %rem3A = arith.remsi %select_n3A, %jit3A_5 : i32
    %ne3A_19 = arith.constant 0 : i32
    %ne3A_20 = arith.cmpi ne, %rem3A, %ne3A_19 : i32
    %and3A = arith.andi %ne3A, %ne3A_20 : i1
    %sub3A = arith.constant 1 : i32
    %sub3A_21 = arith.subi %div3A, %sub3A : i32
    %select_n3A_22 = arith.select %and3A, %sub3A_21, %div3A : i32
    %lt3A = arith.constant 15 : i32
    %lt3A_23 = arith.cmpi slt, %arg1, %lt3A : i32
    %convert_element_type3A = arith.extui %lt3A_23 : i1 to i32
    %cond3A = arith.constant 0 : i32
    %cond3A_24 = arith.cmpi ne, %convert_element_type3A, %cond3A : i32
    scf.if %cond3A_24 {
      %mul3A_67 = arith.constant 624 : i32
      %mul3A_68 = arith.muli %arg1, %mul3A_67 : i32
      %mul3A_69 = arith.constant 624 : i32
      %mul3A_70 = arith.muli %arg1, %mul3A_69 : i32
      "tpu.region"() ({
        %run_scoped3A = tpu.sem_alloc : memref<!tpu.dma_semaphore, #tpu.memory_space<semaphore_mem>>
        %dma_start3A_71 = arith.constant 0 : i32
        %dma_start3A_72 = tpu.memref_slice %arg13[%mul3A_70, %dma_start3A_71] : memref<10000x128xf32, #tpu.memory_space<vmem_shared>> -> memref<624x128xf32, #tpu.memory_space<vmem_shared>>
        %dma_start3A_73 = arith.constant 0 : i32
        %dma_start3A_74 = tpu.memref_slice %arg4[%mul3A_68, %dma_start3A_73] : memref<10000x128xf32, #tpu.memory_space<hbm>> -> memref<624x128xf32, #tpu.memory_space<hbm>>
        tpu.enqueue_dma source(%dma_start3A_74 : memref<624x128xf32, #tpu.memory_space<hbm>>) target(%dma_start3A_72 : memref<624x128xf32, #tpu.memory_space<vmem_shared>>) target_semaphore(%run_scoped3A : memref<!tpu.dma_semaphore, #tpu.memory_space<semaphore_mem>>)
        %dma_wait3A = arith.constant 0 : i32
        %dma_wait3A_75 = tpu.memref_slice %arg13[%mul3A_70, %dma_wait3A] : memref<10000x128xf32, #tpu.memory_space<vmem_shared>> -> memref<624x128xf32, #tpu.memory_space<vmem_shared>>
        %dma_wait3A_76 = arith.constant 0 : i32
        %dma_wait3A_77 = tpu.memref_slice %arg4[%mul3A_68, %dma_wait3A_76] : memref<10000x128xf32, #tpu.memory_space<hbm>> -> memref<624x128xf32, #tpu.memory_space<hbm>>
        tpu.wait_dma2 semaphore(%run_scoped3A : memref<!tpu.dma_semaphore, #tpu.memory_space<semaphore_mem>>) src(%dma_wait3A_77 : memref<624x128xf32, #tpu.memory_space<hbm>>) dst(%dma_wait3A_75 : memref<624x128xf32, #tpu.memory_space<vmem_shared>>)
        tpu.yield
      }) : () -> ()
    } else {
    }
    %eq3A_25 = arith.constant 15 : i32
    %eq3A_26 = arith.cmpi eq, %arg1, %eq3A_25 : i32
    %convert_element_type3A_27 = arith.extui %eq3A_26 : i1 to i32
    %cond3A_28 = arith.constant 0 : i32
    %cond3A_29 = arith.cmpi ne, %convert_element_type3A_27, %cond3A_28 : i32
    scf.if %cond3A_29 {
      "tpu.region"() ({
        %run_scoped3A = tpu.sem_alloc : memref<!tpu.dma_semaphore, #tpu.memory_space<semaphore_mem>>
        %dma_start3A_67 = arith.constant 9360 : i32
        %dma_start3A_68 = arith.constant 0 : i32
        %dma_start3A_69 = tpu.memref_slice %arg13[%dma_start3A_67, %dma_start3A_68] : memref<10000x128xf32, #tpu.memory_space<vmem_shared>> -> memref<640x128xf32, #tpu.memory_space<vmem_shared>>
        %dma_start3A_70 = arith.constant 9360 : i32
        %dma_start3A_71 = arith.constant 0 : i32
        %dma_start3A_72 = tpu.memref_slice %arg4[%dma_start3A_70, %dma_start3A_71] : memref<10000x128xf32, #tpu.memory_space<hbm>> -> memref<640x128xf32, #tpu.memory_space<hbm>>
        tpu.enqueue_dma source(%dma_start3A_72 : memref<640x128xf32, #tpu.memory_space<hbm>>) target(%dma_start3A_69 : memref<640x128xf32, #tpu.memory_space<vmem_shared>>) target_semaphore(%run_scoped3A : memref<!tpu.dma_semaphore, #tpu.memory_space<semaphore_mem>>)
        %dma_wait3A = arith.constant 9360 : i32
        %dma_wait3A_73 = arith.constant 0 : i32
        %dma_wait3A_74 = tpu.memref_slice %arg13[%dma_wait3A, %dma_wait3A_73] : memref<10000x128xf32, #tpu.memory_space<vmem_shared>> -> memref<640x128xf32, #tpu.memory_space<vmem_shared>>
        %dma_wait3A_75 = arith.constant 9360 : i32
        %dma_wait3A_76 = arith.constant 0 : i32
        %dma_wait3A_77 = tpu.memref_slice %arg4[%dma_wait3A_75, %dma_wait3A_76] : memref<10000x128xf32, #tpu.memory_space<hbm>> -> memref<640x128xf32, #tpu.memory_space<hbm>>
        tpu.wait_dma2 semaphore(%run_scoped3A : memref<!tpu.dma_semaphore, #tpu.memory_space<semaphore_mem>>) src(%dma_wait3A_77 : memref<640x128xf32, #tpu.memory_space<hbm>>) dst(%dma_wait3A_74 : memref<640x128xf32, #tpu.memory_space<vmem_shared>>)
        tpu.yield
      }) : () -> ()
    } else {
    }
    "tpu.region"() ({
      %run_scoped3A = tpu.sem_alloc : memref<!tpu.dma_semaphore, #tpu.memory_space<semaphore_mem>>
      %dma_start3A_67 = arith.constant 0 : i32
      %dma_start3A_68 = tpu.memref_slice %arg3[%mul3A_2, %dma_start3A_67] : memref<1280x128xi32, #tpu.memory_space<hbm>> -> memref<40x128xi32, #tpu.memory_space<hbm>>
      %dma_start3A_69 = arith.constant 0 : i32
      %dma_start3A_70 = tpu.memref_slice %arg3[%mul3A_2, %dma_start3A_69] : memref<1280x128xi32, #tpu.memory_space<hbm>> -> memref<40x128xi32, #tpu.memory_space<hbm>>
      tpu.enqueue_dma source(%dma_start3A_70 : memref<40x128xi32, #tpu.memory_space<hbm>>) target(%arg6 : memref<40x128xi32, #tpu.memory_space<vmem>>) target_semaphore(%run_scoped3A : memref<!tpu.dma_semaphore, #tpu.memory_space<semaphore_mem>>)
      %dma_wait3A = arith.constant 0 : i32
      %dma_wait3A_71 = tpu.memref_slice %arg3[%mul3A_2, %dma_wait3A] : memref<1280x128xi32, #tpu.memory_space<hbm>> -> memref<40x128xi32, #tpu.memory_space<hbm>>
      %dma_wait3A_72 = arith.constant 0 : i32
      %dma_wait3A_73 = tpu.memref_slice %arg3[%mul3A_2, %dma_wait3A_72] : memref<1280x128xi32, #tpu.memory_space<hbm>> -> memref<40x128xi32, #tpu.memory_space<hbm>>
      tpu.wait_dma2 semaphore(%run_scoped3A : memref<!tpu.dma_semaphore, #tpu.memory_space<semaphore_mem>>) src(%dma_wait3A_73 : memref<40x128xi32, #tpu.memory_space<hbm>>) dst(%arg6 : memref<40x128xi32, #tpu.memory_space<vmem>>)
      tpu.yield
    }) : () -> ()
    %mul3A_30 = arith.constant 2 : i32
    %mul3A_31 = arith.muli %select_n3A_22, %mul3A_30 : i32
    %add3A_32 = arith.constant 0 : i32
    %add3A_33 = arith.addi %mul3A_2, %add3A_32 : i32
    %mul3A_34 = arith.constant 128 : i32
    %mul3A_35 = arith.muli %add3A_33, %mul3A_34 : i32
    %dma_start3A = arith.constant 0 : i32
    %dma_start3A_36 = tpu.memref_slice %arg2[%mul3A_35, %dma_start3A] : memref<160000x128xf32, #tpu.memory_space<hbm>> -> memref<128x128xf32, #tpu.memory_space<hbm>>
    %dma_start3A_37 = arith.constant 0 : i32
    %dma_start3A_38 = tpu.memref_slice %arg2[%mul3A_35, %dma_start3A_37] : memref<160000x128xf32, #tpu.memory_space<hbm>> -> memref<128x128xf32, #tpu.memory_space<hbm>>
    tpu.enqueue_dma source(%dma_start3A_38 : memref<128x128xf32, #tpu.memory_space<hbm>>) target(%arg7 : memref<128x128xf32, #tpu.memory_space<vmem>>) target_semaphore(%arg9 : memref<!tpu.dma_semaphore, #tpu.memory_space<semaphore_mem>>)
    %add3A_39 = arith.constant 1 : i32
    %add3A_40 = arith.addi %mul3A_2, %add3A_39 : i32
    %mul3A_41 = arith.constant 128 : i32
    %mul3A_42 = arith.muli %add3A_40, %mul3A_41 : i32
    %dma_start3A_43 = arith.constant 0 : i32
    %dma_start3A_44 = tpu.memref_slice %arg2[%mul3A_42, %dma_start3A_43] : memref<160000x128xf32, #tpu.memory_space<hbm>> -> memref<128x128xf32, #tpu.memory_space<hbm>>
    %dma_start3A_45 = arith.constant 0 : i32
    %dma_start3A_46 = tpu.memref_slice %arg2[%mul3A_42, %dma_start3A_45] : memref<160000x128xf32, #tpu.memory_space<hbm>> -> memref<128x128xf32, #tpu.memory_space<hbm>>
    tpu.enqueue_dma source(%dma_start3A_46 : memref<128x128xf32, #tpu.memory_space<hbm>>) target(%arg8 : memref<128x128xf32, #tpu.memory_space<vmem>>) target_semaphore(%arg10 : memref<!tpu.dma_semaphore, #tpu.memory_space<semaphore_mem>>)
    %barrier3A = arith.constant 0 : index
    tpu.barrier barrier_id(%barrier3A)
    %while3A = arith.constant 0 : i32
    %while3A_47 = arith.constant 0 : i32
    %while3A_48 = arith.subi %select_n3A_22, %while3A_47 : i32
    %while3A_49 = arith.addi %while3A_47, %while3A_48 : i32
    %while3A_50 = arith.constant 1 : i32
    %while3A_51 = arith.divsi %while3A_48, %while3A_50 : i32
    %while3A_52 = arith.muli %while3A_51, %while3A_50 : i32
    %while3A_53 = arith.addi %while3A_47, %while3A_52 : i32
    %while3A_54 = arith.constant 1 : i32
    scf.for %while3A_67 = %while3A_47 to %while3A_53 step %while3A_54  : i32 {
      %mul3A_68 = arith.constant 2 : i32
      %mul3A_69 = arith.muli %while3A_67, %mul3A_68 : i32
      %add3A_70 = arith.addi %mul3A_2, %mul3A_69 : i32
      %add3A_71 = arith.constant 0 : i32
      %add3A_72 = arith.addi %add3A_70, %add3A_71 : i32
      %mul3A_73 = arith.constant 128 : i32
      %mul3A_74 = arith.muli %add3A_72, %mul3A_73 : i32
      %dma_wait3A = arith.constant 0 : i32
      %dma_wait3A_75 = tpu.memref_slice %arg2[%mul3A_74, %dma_wait3A] : memref<160000x128xf32, #tpu.memory_space<hbm>> -> memref<128x128xf32, #tpu.memory_space<hbm>>
      %dma_wait3A_76 = arith.constant 0 : i32
      %dma_wait3A_77 = tpu.memref_slice %arg2[%mul3A_74, %dma_wait3A_76] : memref<160000x128xf32, #tpu.memory_space<hbm>> -> memref<128x128xf32, #tpu.memory_space<hbm>>
      tpu.wait_dma2 semaphore(%arg9 : memref<!tpu.dma_semaphore, #tpu.memory_space<semaphore_mem>>) src(%dma_wait3A_77 : memref<128x128xf32, #tpu.memory_space<hbm>>) dst(%arg7 : memref<128x128xf32, #tpu.memory_space<vmem>>)
      %add3A_78 = arith.constant 0 : i32
      %add3A_79 = arith.addi %mul3A_69, %add3A_78 : i32
      %dma_start3A_80 = arith.constant 0 : i32
      %dma_start3A_81 = tpu.memref_slice %arg6[%add3A_79, %dma_start3A_80] : memref<40x128xi32, #tpu.memory_space<vmem>> -> memref<1x128xi32, #tpu.memory_space<vmem>>
      %dma_start3A_82 = tpu.memref_squeeze %dma_start3A_81 : memref<1x128xi32, #tpu.memory_space<vmem>> -> memref<128xi32, #tpu.memory_space<vmem>>
      %dma_start3A_83 = arith.constant 0 : i32
      %dma_start3A_84 = arith.constant 0 : i32
      %dma_start3A_85 = tpu.memref_slice %arg13[%dma_start3A_83, %dma_start3A_84] : memref<10000x128xf32, #tpu.memory_space<vmem_shared>> -> memref<10000x128xf32, #tpu.memory_space<vmem_shared>>
      tpu.enqueue_indirect_dma source(%arg7 : memref<128x128xf32, #tpu.memory_space<vmem>>) target(%dma_start3A_85 : memref<10000x128xf32, #tpu.memory_space<vmem_shared>>) offsets(%dma_start3A_82 : memref<128xi32, #tpu.memory_space<vmem>>) semaphore(%arg11 : memref<!tpu.dma_semaphore, #tpu.memory_space<semaphore_mem>>) {add = true}
      %add3A_86 = arith.addi %mul3A_2, %mul3A_69 : i32
      %add3A_87 = arith.constant 1 : i32
      %add3A_88 = arith.addi %add3A_86, %add3A_87 : i32
      %mul3A_89 = arith.constant 128 : i32
      %mul3A_90 = arith.muli %add3A_88, %mul3A_89 : i32
      %dma_wait3A_91 = arith.constant 0 : i32
      %dma_wait3A_92 = tpu.memref_slice %arg2[%mul3A_90, %dma_wait3A_91] : memref<160000x128xf32, #tpu.memory_space<hbm>> -> memref<128x128xf32, #tpu.memory_space<hbm>>
      %dma_wait3A_93 = arith.constant 0 : i32
      %dma_wait3A_94 = tpu.memref_slice %arg2[%mul3A_90, %dma_wait3A_93] : memref<160000x128xf32, #tpu.memory_space<hbm>> -> memref<128x128xf32, #tpu.memory_space<hbm>>
      tpu.wait_dma2 semaphore(%arg10 : memref<!tpu.dma_semaphore, #tpu.memory_space<semaphore_mem>>) src(%dma_wait3A_94 : memref<128x128xf32, #tpu.memory_space<hbm>>) dst(%arg8 : memref<128x128xf32, #tpu.memory_space<vmem>>)
      %add3A_95 = arith.constant 1 : i32
      %add3A_96 = arith.addi %mul3A_69, %add3A_95 : i32
      %dma_start3A_97 = arith.constant 0 : i32
      %dma_start3A_98 = tpu.memref_slice %arg6[%add3A_96, %dma_start3A_97] : memref<40x128xi32, #tpu.memory_space<vmem>> -> memref<1x128xi32, #tpu.memory_space<vmem>>
      %dma_start3A_99 = tpu.memref_squeeze %dma_start3A_98 : memref<1x128xi32, #tpu.memory_space<vmem>> -> memref<128xi32, #tpu.memory_space<vmem>>
      %dma_start3A_100 = arith.constant 0 : i32
      %dma_start3A_101 = arith.constant 0 : i32
      %dma_start3A_102 = tpu.memref_slice %arg13[%dma_start3A_100, %dma_start3A_101] : memref<10000x128xf32, #tpu.memory_space<vmem_shared>> -> memref<10000x128xf32, #tpu.memory_space<vmem_shared>>
      tpu.enqueue_indirect_dma source(%arg8 : memref<128x128xf32, #tpu.memory_space<vmem>>) target(%dma_start3A_102 : memref<10000x128xf32, #tpu.memory_space<vmem_shared>>) offsets(%dma_start3A_99 : memref<128xi32, #tpu.memory_space<vmem>>) semaphore(%arg12 : memref<!tpu.dma_semaphore, #tpu.memory_space<semaphore_mem>>) {add = true}
      %add3A_103 = arith.constant 0 : i32
      %add3A_104 = arith.addi %mul3A_69, %add3A_103 : i32
      %dma_wait3A_105 = arith.constant 0 : i32
      %dma_wait3A_106 = tpu.memref_slice %arg6[%add3A_104, %dma_wait3A_105] : memref<40x128xi32, #tpu.memory_space<vmem>> -> memref<1x128xi32, #tpu.memory_space<vmem>>
      %dma_wait3A_107 = tpu.memref_squeeze %dma_wait3A_106 : memref<1x128xi32, #tpu.memory_space<vmem>> -> memref<128xi32, #tpu.memory_space<vmem>>
      %dma_wait3A_108 = arith.constant 0 : i32
      %dma_wait3A_109 = arith.constant 0 : i32
      %dma_wait3A_110 = tpu.memref_slice %arg13[%dma_wait3A_108, %dma_wait3A_109] : memref<10000x128xf32, #tpu.memory_space<vmem_shared>> -> memref<10000x128xf32, #tpu.memory_space<vmem_shared>>
      tpu.wait_indirect_dma semaphore(%arg11 : memref<!tpu.dma_semaphore, #tpu.memory_space<semaphore_mem>>) src(%arg7 : memref<128x128xf32, #tpu.memory_space<vmem>>) dst(%dma_wait3A_110 : memref<10000x128xf32, #tpu.memory_space<vmem_shared>>)
      %add3A_111 = arith.constant 2 : i32
      %add3A_112 = arith.addi %add3A_104, %add3A_111 : i32
      %lt3A_113 = arith.cmpi slt, %add3A_112, %mul3A_31 : i32
      %convert_element_type3A_114 = arith.extui %lt3A_113 : i1 to i32
      %cond3A_115 = arith.constant 0 : i32
      %cond3A_116 = arith.cmpi ne, %convert_element_type3A_114, %cond3A_115 : i32
      scf.if %cond3A_116 {
        %add3A_131 = arith.constant 2 : i32
        %add3A_132 = arith.addi %add3A_104, %add3A_131 : i32
        %add3A_133 = arith.addi %mul3A_2, %add3A_132 : i32
        %mul3A_134 = arith.constant 128 : i32
        %mul3A_135 = arith.muli %add3A_133, %mul3A_134 : i32
        %dma_start3A_136 = arith.constant 0 : i32
        %dma_start3A_137 = tpu.memref_slice %arg2[%mul3A_135, %dma_start3A_136] : memref<160000x128xf32, #tpu.memory_space<hbm>> -> memref<128x128xf32, #tpu.memory_space<hbm>>
        %dma_start3A_138 = arith.constant 0 : i32
        %dma_start3A_139 = tpu.memref_slice %arg2[%mul3A_135, %dma_start3A_138] : memref<160000x128xf32, #tpu.memory_space<hbm>> -> memref<128x128xf32, #tpu.memory_space<hbm>>
        tpu.enqueue_dma source(%dma_start3A_139 : memref<128x128xf32, #tpu.memory_space<hbm>>) target(%arg7 : memref<128x128xf32, #tpu.memory_space<vmem>>) target_semaphore(%arg9 : memref<!tpu.dma_semaphore, #tpu.memory_space<semaphore_mem>>)
      } else {
      }
      %add3A_117 = arith.constant 1 : i32
      %add3A_118 = arith.addi %mul3A_69, %add3A_117 : i32
      %dma_wait3A_119 = arith.constant 0 : i32
      %dma_wait3A_120 = tpu.memref_slice %arg6[%add3A_118, %dma_wait3A_119] : memref<40x128xi32, #tpu.memory_space<vmem>> -> memref<1x128xi32, #tpu.memory_space<vmem>>
      %dma_wait3A_121 = tpu.memref_squeeze %dma_wait3A_120 : memref<1x128xi32, #tpu.memory_space<vmem>> -> memref<128xi32, #tpu.memory_space<vmem>>
      %dma_wait3A_122 = arith.constant 0 : i32
      %dma_wait3A_123 = arith.constant 0 : i32
      %dma_wait3A_124 = tpu.memref_slice %arg13[%dma_wait3A_122, %dma_wait3A_123] : memref<10000x128xf32, #tpu.memory_space<vmem_shared>> -> memref<10000x128xf32, #tpu.memory_space<vmem_shared>>
      tpu.wait_indirect_dma semaphore(%arg12 : memref<!tpu.dma_semaphore, #tpu.memory_space<semaphore_mem>>) src(%arg8 : memref<128x128xf32, #tpu.memory_space<vmem>>) dst(%dma_wait3A_124 : memref<10000x128xf32, #tpu.memory_space<vmem_shared>>)
      %add3A_125 = arith.constant 2 : i32
      %add3A_126 = arith.addi %add3A_118, %add3A_125 : i32
      %lt3A_127 = arith.cmpi slt, %add3A_126, %mul3A_31 : i32
      %convert_element_type3A_128 = arith.extui %lt3A_127 : i1 to i32
      %cond3A_129 = arith.constant 0 : i32
      %cond3A_130 = arith.cmpi ne, %convert_element_type3A_128, %cond3A_129 : i32
      scf.if %cond3A_130 {
        %add3A_131 = arith.constant 2 : i32
        %add3A_132 = arith.addi %add3A_118, %add3A_131 : i32
        %add3A_133 = arith.addi %mul3A_2, %add3A_132 : i32
        %mul3A_134 = arith.constant 128 : i32
        %mul3A_135 = arith.muli %add3A_133, %mul3A_134 : i32
        %dma_start3A_136 = arith.constant 0 : i32
        %dma_start3A_137 = tpu.memref_slice %arg2[%mul3A_135, %dma_start3A_136] : memref<160000x128xf32, #tpu.memory_space<hbm>> -> memref<128x128xf32, #tpu.memory_space<hbm>>
        %dma_start3A_138 = arith.constant 0 : i32
        %dma_start3A_139 = tpu.memref_slice %arg2[%mul3A_135, %dma_start3A_138] : memref<160000x128xf32, #tpu.memory_space<hbm>> -> memref<128x128xf32, #tpu.memory_space<hbm>>
        tpu.enqueue_dma source(%dma_start3A_139 : memref<128x128xf32, #tpu.memory_space<hbm>>) target(%arg8 : memref<128x128xf32, #tpu.memory_space<vmem>>) target_semaphore(%arg10 : memref<!tpu.dma_semaphore, #tpu.memory_space<semaphore_mem>>)
      } else {
      }
    }
    %while3A_55 = arith.constant 1 : i32
    scf.for %while3A_67 = %while3A_53 to %while3A_49 step %while3A_55  : i32 {
      %mul3A_68 = arith.constant 2 : i32
      %mul3A_69 = arith.muli %while3A_67, %mul3A_68 : i32
      %add3A_70 = arith.addi %mul3A_2, %mul3A_69 : i32
      %add3A_71 = arith.constant 0 : i32
      %add3A_72 = arith.addi %add3A_70, %add3A_71 : i32
      %mul3A_73 = arith.constant 128 : i32
      %mul3A_74 = arith.muli %add3A_72, %mul3A_73 : i32
      %dma_wait3A = arith.constant 0 : i32
      %dma_wait3A_75 = tpu.memref_slice %arg2[%mul3A_74, %dma_wait3A] : memref<160000x128xf32, #tpu.memory_space<hbm>> -> memref<128x128xf32, #tpu.memory_space<hbm>>
      %dma_wait3A_76 = arith.constant 0 : i32
      %dma_wait3A_77 = tpu.memref_slice %arg2[%mul3A_74, %dma_wait3A_76] : memref<160000x128xf32, #tpu.memory_space<hbm>> -> memref<128x128xf32, #tpu.memory_space<hbm>>
      tpu.wait_dma2 semaphore(%arg9 : memref<!tpu.dma_semaphore, #tpu.memory_space<semaphore_mem>>) src(%dma_wait3A_77 : memref<128x128xf32, #tpu.memory_space<hbm>>) dst(%arg7 : memref<128x128xf32, #tpu.memory_space<vmem>>)
      %add3A_78 = arith.constant 0 : i32
      %add3A_79 = arith.addi %mul3A_69, %add3A_78 : i32
      %dma_start3A_80 = arith.constant 0 : i32
      %dma_start3A_81 = tpu.memref_slice %arg6[%add3A_79, %dma_start3A_80] : memref<40x128xi32, #tpu.memory_space<vmem>> -> memref<1x128xi32, #tpu.memory_space<vmem>>
      %dma_start3A_82 = tpu.memref_squeeze %dma_start3A_81 : memref<1x128xi32, #tpu.memory_space<vmem>> -> memref<128xi32, #tpu.memory_space<vmem>>
      %dma_start3A_83 = arith.constant 0 : i32
      %dma_start3A_84 = arith.constant 0 : i32
      %dma_start3A_85 = tpu.memref_slice %arg13[%dma_start3A_83, %dma_start3A_84] : memref<10000x128xf32, #tpu.memory_space<vmem_shared>> -> memref<10000x128xf32, #tpu.memory_space<vmem_shared>>
      tpu.enqueue_indirect_dma source(%arg7 : memref<128x128xf32, #tpu.memory_space<vmem>>) target(%dma_start3A_85 : memref<10000x128xf32, #tpu.memory_space<vmem_shared>>) offsets(%dma_start3A_82 : memref<128xi32, #tpu.memory_space<vmem>>) semaphore(%arg11 : memref<!tpu.dma_semaphore, #tpu.memory_space<semaphore_mem>>) {add = true}
      %add3A_86 = arith.addi %mul3A_2, %mul3A_69 : i32
      %add3A_87 = arith.constant 1 : i32
      %add3A_88 = arith.addi %add3A_86, %add3A_87 : i32
      %mul3A_89 = arith.constant 128 : i32
      %mul3A_90 = arith.muli %add3A_88, %mul3A_89 : i32
      %dma_wait3A_91 = arith.constant 0 : i32
      %dma_wait3A_92 = tpu.memref_slice %arg2[%mul3A_90, %dma_wait3A_91] : memref<160000x128xf32, #tpu.memory_space<hbm>> -> memref<128x128xf32, #tpu.memory_space<hbm>>
      %dma_wait3A_93 = arith.constant 0 : i32
      %dma_wait3A_94 = tpu.memref_slice %arg2[%mul3A_90, %dma_wait3A_93] : memref<160000x128xf32, #tpu.memory_space<hbm>> -> memref<128x128xf32, #tpu.memory_space<hbm>>
      tpu.wait_dma2 semaphore(%arg10 : memref<!tpu.dma_semaphore, #tpu.memory_space<semaphore_mem>>) src(%dma_wait3A_94 : memref<128x128xf32, #tpu.memory_space<hbm>>) dst(%arg8 : memref<128x128xf32, #tpu.memory_space<vmem>>)
      %add3A_95 = arith.constant 1 : i32
      %add3A_96 = arith.addi %mul3A_69, %add3A_95 : i32
      %dma_start3A_97 = arith.constant 0 : i32
      %dma_start3A_98 = tpu.memref_slice %arg6[%add3A_96, %dma_start3A_97] : memref<40x128xi32, #tpu.memory_space<vmem>> -> memref<1x128xi32, #tpu.memory_space<vmem>>
      %dma_start3A_99 = tpu.memref_squeeze %dma_start3A_98 : memref<1x128xi32, #tpu.memory_space<vmem>> -> memref<128xi32, #tpu.memory_space<vmem>>
      %dma_start3A_100 = arith.constant 0 : i32
      %dma_start3A_101 = arith.constant 0 : i32
      %dma_start3A_102 = tpu.memref_slice %arg13[%dma_start3A_100, %dma_start3A_101] : memref<10000x128xf32, #tpu.memory_space<vmem_shared>> -> memref<10000x128xf32, #tpu.memory_space<vmem_shared>>
      tpu.enqueue_indirect_dma source(%arg8 : memref<128x128xf32, #tpu.memory_space<vmem>>) target(%dma_start3A_102 : memref<10000x128xf32, #tpu.memory_space<vmem_shared>>) offsets(%dma_start3A_99 : memref<128xi32, #tpu.memory_space<vmem>>) semaphore(%arg12 : memref<!tpu.dma_semaphore, #tpu.memory_space<semaphore_mem>>) {add = true}
      %add3A_103 = arith.constant 0 : i32
      %add3A_104 = arith.addi %mul3A_69, %add3A_103 : i32
      %dma_wait3A_105 = arith.constant 0 : i32
      %dma_wait3A_106 = tpu.memref_slice %arg6[%add3A_104, %dma_wait3A_105] : memref<40x128xi32, #tpu.memory_space<vmem>> -> memref<1x128xi32, #tpu.memory_space<vmem>>
      %dma_wait3A_107 = tpu.memref_squeeze %dma_wait3A_106 : memref<1x128xi32, #tpu.memory_space<vmem>> -> memref<128xi32, #tpu.memory_space<vmem>>
      %dma_wait3A_108 = arith.constant 0 : i32
      %dma_wait3A_109 = arith.constant 0 : i32
      %dma_wait3A_110 = tpu.memref_slice %arg13[%dma_wait3A_108, %dma_wait3A_109] : memref<10000x128xf32, #tpu.memory_space<vmem_shared>> -> memref<10000x128xf32, #tpu.memory_space<vmem_shared>>
      tpu.wait_indirect_dma semaphore(%arg11 : memref<!tpu.dma_semaphore, #tpu.memory_space<semaphore_mem>>) src(%arg7 : memref<128x128xf32, #tpu.memory_space<vmem>>) dst(%dma_wait3A_110 : memref<10000x128xf32, #tpu.memory_space<vmem_shared>>)
      %add3A_111 = arith.constant 2 : i32
      %add3A_112 = arith.addi %add3A_104, %add3A_111 : i32
      %lt3A_113 = arith.cmpi slt, %add3A_112, %mul3A_31 : i32
      %convert_element_type3A_114 = arith.extui %lt3A_113 : i1 to i32
      %cond3A_115 = arith.constant 0 : i32
      %cond3A_116 = arith.cmpi ne, %convert_element_type3A_114, %cond3A_115 : i32
      scf.if %cond3A_116 {
        %add3A_131 = arith.constant 2 : i32
        %add3A_132 = arith.addi %add3A_104, %add3A_131 : i32
        %add3A_133 = arith.addi %mul3A_2, %add3A_132 : i32
        %mul3A_134 = arith.constant 128 : i32
        %mul3A_135 = arith.muli %add3A_133, %mul3A_134 : i32
        %dma_start3A_136 = arith.constant 0 : i32
        %dma_start3A_137 = tpu.memref_slice %arg2[%mul3A_135, %dma_start3A_136] : memref<160000x128xf32, #tpu.memory_space<hbm>> -> memref<128x128xf32, #tpu.memory_space<hbm>>
        %dma_start3A_138 = arith.constant 0 : i32
        %dma_start3A_139 = tpu.memref_slice %arg2[%mul3A_135, %dma_start3A_138] : memref<160000x128xf32, #tpu.memory_space<hbm>> -> memref<128x128xf32, #tpu.memory_space<hbm>>
        tpu.enqueue_dma source(%dma_start3A_139 : memref<128x128xf32, #tpu.memory_space<hbm>>) target(%arg7 : memref<128x128xf32, #tpu.memory_space<vmem>>) target_semaphore(%arg9 : memref<!tpu.dma_semaphore, #tpu.memory_space<semaphore_mem>>)
      } else {
      }
      %add3A_117 = arith.constant 1 : i32
      %add3A_118 = arith.addi %mul3A_69, %add3A_117 : i32
      %dma_wait3A_119 = arith.constant 0 : i32
      %dma_wait3A_120 = tpu.memref_slice %arg6[%add3A_118, %dma_wait3A_119] : memref<40x128xi32, #tpu.memory_space<vmem>> -> memref<1x128xi32, #tpu.memory_space<vmem>>
      %dma_wait3A_121 = tpu.memref_squeeze %dma_wait3A_120 : memref<1x128xi32, #tpu.memory_space<vmem>> -> memref<128xi32, #tpu.memory_space<vmem>>
      %dma_wait3A_122 = arith.constant 0 : i32
      %dma_wait3A_123 = arith.constant 0 : i32
      %dma_wait3A_124 = tpu.memref_slice %arg13[%dma_wait3A_122, %dma_wait3A_123] : memref<10000x128xf32, #tpu.memory_space<vmem_shared>> -> memref<10000x128xf32, #tpu.memory_space<vmem_shared>>
      tpu.wait_indirect_dma semaphore(%arg12 : memref<!tpu.dma_semaphore, #tpu.memory_space<semaphore_mem>>) src(%arg8 : memref<128x128xf32, #tpu.memory_space<vmem>>) dst(%dma_wait3A_124 : memref<10000x128xf32, #tpu.memory_space<vmem_shared>>)
      %add3A_125 = arith.constant 2 : i32
      %add3A_126 = arith.addi %add3A_118, %add3A_125 : i32
      %lt3A_127 = arith.cmpi slt, %add3A_126, %mul3A_31 : i32
      %convert_element_type3A_128 = arith.extui %lt3A_127 : i1 to i32
      %cond3A_129 = arith.constant 0 : i32
      %cond3A_130 = arith.cmpi ne, %convert_element_type3A_128, %cond3A_129 : i32
      scf.if %cond3A_130 {
        %add3A_131 = arith.constant 2 : i32
        %add3A_132 = arith.addi %add3A_118, %add3A_131 : i32
        %add3A_133 = arith.addi %mul3A_2, %add3A_132 : i32
        %mul3A_134 = arith.constant 128 : i32
        %mul3A_135 = arith.muli %add3A_133, %mul3A_134 : i32
        %dma_start3A_136 = arith.constant 0 : i32
        %dma_start3A_137 = tpu.memref_slice %arg2[%mul3A_135, %dma_start3A_136] : memref<160000x128xf32, #tpu.memory_space<hbm>> -> memref<128x128xf32, #tpu.memory_space<hbm>>
        %dma_start3A_138 = arith.constant 0 : i32
        %dma_start3A_139 = tpu.memref_slice %arg2[%mul3A_135, %dma_start3A_138] : memref<160000x128xf32, #tpu.memory_space<hbm>> -> memref<128x128xf32, #tpu.memory_space<hbm>>
        tpu.enqueue_dma source(%dma_start3A_139 : memref<128x128xf32, #tpu.memory_space<hbm>>) target(%arg8 : memref<128x128xf32, #tpu.memory_space<vmem>>) target_semaphore(%arg10 : memref<!tpu.dma_semaphore, #tpu.memory_space<semaphore_mem>>)
      } else {
      }
    }
    %barrier3A_56 = arith.constant 0 : index
    tpu.barrier barrier_id(%barrier3A_56)
    %lt3A_57 = arith.constant 15 : i32
    %lt3A_58 = arith.cmpi slt, %arg1, %lt3A_57 : i32
    %convert_element_type3A_59 = arith.extui %lt3A_58 : i1 to i32
    %cond3A_60 = arith.constant 0 : i32
    %cond3A_61 = arith.cmpi ne, %convert_element_type3A_59, %cond3A_60 : i32
    scf.if %cond3A_61 {
      %mul3A_67 = arith.constant 624 : i32
      %mul3A_68 = arith.muli %arg1, %mul3A_67 : i32
      %mul3A_69 = arith.constant 624 : i32
      %mul3A_70 = arith.muli %arg1, %mul3A_69 : i32
      "tpu.region"() ({
        %run_scoped3A = tpu.sem_alloc : memref<!tpu.dma_semaphore, #tpu.memory_space<semaphore_mem>>
        %dma_start3A_71 = arith.constant 0 : i32
        %dma_start3A_72 = tpu.memref_slice %arg5[%arg0, %mul3A_70, %dma_start3A_71] : memref<2x10000x128xf32, #tpu.memory_space<hbm>> -> memref<1x624x128xf32, #tpu.memory_space<hbm>>
        %dma_start3A_73 = tpu.memref_squeeze %dma_start3A_72 : memref<1x624x128xf32, #tpu.memory_space<hbm>> -> memref<624x128xf32, #tpu.memory_space<hbm>>
        %dma_start3A_74 = arith.constant 0 : i32
        %dma_start3A_75 = tpu.memref_slice %arg13[%mul3A_68, %dma_start3A_74] : memref<10000x128xf32, #tpu.memory_space<vmem_shared>> -> memref<624x128xf32, #tpu.memory_space<vmem_shared>>
        tpu.enqueue_dma source(%dma_start3A_75 : memref<624x128xf32, #tpu.memory_space<vmem_shared>>) target(%dma_start3A_73 : memref<624x128xf32, #tpu.memory_space<hbm>>) target_semaphore(%run_scoped3A : memref<!tpu.dma_semaphore, #tpu.memory_space<semaphore_mem>>)
        %dma_wait3A = arith.constant 0 : i32
        %dma_wait3A_76 = tpu.memref_slice %arg5[%arg0, %mul3A_70, %dma_wait3A] : memref<2x10000x128xf32, #tpu.memory_space<hbm>> -> memref<1x624x128xf32, #tpu.memory_space<hbm>>
        %dma_wait3A_77 = tpu.memref_squeeze %dma_wait3A_76 : memref<1x624x128xf32, #tpu.memory_space<hbm>> -> memref<624x128xf32, #tpu.memory_space<hbm>>
        %dma_wait3A_78 = arith.constant 0 : i32
        %dma_wait3A_79 = tpu.memref_slice %arg13[%mul3A_68, %dma_wait3A_78] : memref<10000x128xf32, #tpu.memory_space<vmem_shared>> -> memref<624x128xf32, #tpu.memory_space<vmem_shared>>
        tpu.wait_dma2 semaphore(%run_scoped3A : memref<!tpu.dma_semaphore, #tpu.memory_space<semaphore_mem>>) src(%dma_wait3A_79 : memref<624x128xf32, #tpu.memory_space<vmem_shared>>) dst(%dma_wait3A_77 : memref<624x128xf32, #tpu.memory_space<hbm>>)
        tpu.yield
      }) : () -> ()
    } else {
    }
    %eq3A_62 = arith.constant 15 : i32
    %eq3A_63 = arith.cmpi eq, %arg1, %eq3A_62 : i32
    %convert_element_type3A_64 = arith.extui %eq3A_63 : i1 to i32
    %cond3A_65 = arith.constant 0 : i32
    %cond3A_66 = arith.cmpi ne, %convert_element_type3A_64, %cond3A_65 : i32
    scf.if %cond3A_66 {
      "tpu.region"() ({
        %run_scoped3A = tpu.sem_alloc : memref<!tpu.dma_semaphore, #tpu.memory_space<semaphore_mem>>
        %dma_start3A_67 = arith.constant 9360 : i32
        %dma_start3A_68 = arith.constant 0 : i32
        %dma_start3A_69 = tpu.memref_slice %arg5[%arg0, %dma_start3A_67, %dma_start3A_68] : memref<2x10000x128xf32, #tpu.memory_space<hbm>> -> memref<1x640x128xf32, #tpu.memory_space<hbm>>
        %dma_start3A_70 = tpu.memref_squeeze %dma_start3A_69 : memref<1x640x128xf32, #tpu.memory_space<hbm>> -> memref<640x128xf32, #tpu.memory_space<hbm>>
        %dma_start3A_71 = arith.constant 9360 : i32
        %dma_start3A_72 = arith.constant 0 : i32
        %dma_start3A_73 = tpu.memref_slice %arg13[%dma_start3A_71, %dma_start3A_72] : memref<10000x128xf32, #tpu.memory_space<vmem_shared>> -> memref<640x128xf32, #tpu.memory_space<vmem_shared>>
        tpu.enqueue_dma source(%dma_start3A_73 : memref<640x128xf32, #tpu.memory_space<vmem_shared>>) target(%dma_start3A_70 : memref<640x128xf32, #tpu.memory_space<hbm>>) target_semaphore(%run_scoped3A : memref<!tpu.dma_semaphore, #tpu.memory_space<semaphore_mem>>)
        %dma_wait3A = arith.constant 9360 : i32
        %dma_wait3A_74 = arith.constant 0 : i32
        %dma_wait3A_75 = tpu.memref_slice %arg5[%arg0, %dma_wait3A, %dma_wait3A_74] : memref<2x10000x128xf32, #tpu.memory_space<hbm>> -> memref<1x640x128xf32, #tpu.memory_space<hbm>>
        %dma_wait3A_76 = tpu.memref_squeeze %dma_wait3A_75 : memref<1x640x128xf32, #tpu.memory_space<hbm>> -> memref<640x128xf32, #tpu.memory_space<hbm>>
        %dma_wait3A_77 = arith.constant 9360 : i32
        %dma_wait3A_78 = arith.constant 0 : i32
        %dma_wait3A_79 = tpu.memref_slice %arg13[%dma_wait3A_77, %dma_wait3A_78] : memref<10000x128xf32, #tpu.memory_space<vmem_shared>> -> memref<640x128xf32, #tpu.memory_space<vmem_shared>>
        tpu.wait_dma2 semaphore(%run_scoped3A : memref<!tpu.dma_semaphore, #tpu.memory_space<semaphore_mem>>) src(%dma_wait3A_79 : memref<640x128xf32, #tpu.memory_space<vmem_shared>>) dst(%dma_wait3A_76 : memref<640x128xf32, #tpu.memory_space<hbm>>)
        tpu.yield
      }) : () -> ()
    } else {
    }
    return
  }
}

#map = affine_map<(d0, d1) -> (0, 0)>
#map1 = affine_map<(d0, d1) -> (0, 0, 0)>
module attributes {stable_mosaic.version = 14 : i64} {
  func.func @sc_kernel(%arg0: i32, %arg1: i32, %arg2: memref<160000x128xf32, #tpu.memory_space<hbm>>, %arg3: memref<1280x128xi32, #tpu.memory_space<hbm>>, %arg4: memref<10000x128xf32, #tpu.memory_space<hbm>>, %arg5: memref<2x10000x128xf32, #tpu.memory_space<hbm>>, %arg6: memref<40x128xi32, #tpu.memory_space<vmem>>, %arg7: memref<128x128xf32, #tpu.memory_space<vmem>>, %arg8: memref<128x128xf32, #tpu.memory_space<vmem>>, %arg9: memref<!tpu.dma_semaphore, #tpu.memory_space<semaphore_mem>>, %arg10: memref<!tpu.dma_semaphore, #tpu.memory_space<semaphore_mem>>, %arg11: memref<!tpu.dma_semaphore, #tpu.memory_space<semaphore_mem>>, %arg12: memref<!tpu.dma_semaphore, #tpu.memory_space<semaphore_mem>>, %arg13: memref<10000x128xf32, #tpu.memory_space<vmem_shared>>) attributes {dimension_semantics = [#tpu.dimension_semantics<core_parallel>, #tpu.dimension_semantics<subcore_parallel>], iteration_bounds = array<i64: 2, 16>, scalar_prefetch = 0 : i64, scratch_operands = 8 : i64, tpu.core_type = #tpu.core_type<sc_vector_subcore>, window_params = [{transform_indices = #map}, {transform_indices = #map}, {transform_indices = #map}, {transform_indices = #map1}]} {
    %mul3A = arith.constant 2 : i32
    %mul3A_0 = arith.muli %arg1, %mul3A : i32
    %add3A = arith.addi %mul3A_0, %arg0 : i32
    %mul3A_1 = arith.constant 40 : i32
    %mul3A_2 = arith.muli %add3A, %mul3A_1 : i32
    %eq3A = arith.constant 31 : i32
    %eq3A_3 = arith.cmpi eq, %add3A, %eq3A : i32
    %jit3A = arith.constant 10 : i32
    %jit3A_4 = arith.constant 40 : i32
    %select_n3A = arith.select %eq3A_3, %jit3A, %jit3A_4 : i32
    %jit3A_5 = arith.constant 2 : i32
    %div3A = arith.divsi %select_n3A, %jit3A_5 : i32
    %sign3A = arith.constant 0 : i32
    %sign3A_6 = arith.cmpi sgt, %select_n3A, %sign3A : i32
    %sign3A_7 = arith.extui %sign3A_6 : i1 to i32
    %sign3A_8 = arith.constant 0 : i32
    %sign3A_9 = arith.cmpi slt, %select_n3A, %sign3A_8 : i32
    %sign3A_10 = arith.extui %sign3A_9 : i1 to i32
    %sign3A_11 = arith.subi %sign3A_7, %sign3A_10 : i32
    %sign3A_12 = arith.constant 0 : i32
    %sign3A_13 = arith.cmpi sgt, %jit3A_5, %sign3A_12 : i32
    %sign3A_14 = arith.extui %sign3A_13 : i1 to i32
    %sign3A_15 = arith.constant 0 : i32
    %sign3A_16 = arith.cmpi slt, %jit3A_5, %sign3A_15 : i32
    %sign3A_17 = arith.extui %sign3A_16 : i1 to i32
    %sign3A_18 = arith.subi %sign3A_14, %sign3A_17 : i32
    %ne3A = arith.cmpi ne, %sign3A_11, %sign3A_18 : i32
    %rem3A = arith.remsi %select_n3A, %jit3A_5 : i32
    %ne3A_19 = arith.constant 0 : i32
    %ne3A_20 = arith.cmpi ne, %rem3A, %ne3A_19 : i32
    %and3A = arith.andi %ne3A, %ne3A_20 : i1
    %sub3A = arith.constant 1 : i32
    %sub3A_21 = arith.subi %div3A, %sub3A : i32
    %select_n3A_22 = arith.select %and3A, %sub3A_21, %div3A : i32
    %lt3A = arith.constant 15 : i32
    %lt3A_23 = arith.cmpi slt, %arg1, %lt3A : i32
    %convert_element_type3A = arith.extui %lt3A_23 : i1 to i32
    %cond3A = arith.constant 0 : i32
    %cond3A_24 = arith.cmpi ne, %convert_element_type3A, %cond3A : i32
    scf.if %cond3A_24 {
      %mul3A_67 = arith.constant 624 : i32
      %mul3A_68 = arith.muli %arg1, %mul3A_67 : i32
      %mul3A_69 = arith.constant 624 : i32
      %mul3A_70 = arith.muli %arg1, %mul3A_69 : i32
      "tpu.region"() ({
        %run_scoped3A = tpu.sem_alloc : memref<!tpu.dma_semaphore, #tpu.memory_space<semaphore_mem>>
        %dma_start3A_71 = arith.constant 0 : i32
        %dma_start3A_72 = tpu.memref_slice %arg13[%mul3A_70, %dma_start3A_71] : memref<10000x128xf32, #tpu.memory_space<vmem_shared>> -> memref<624x128xf32, #tpu.memory_space<vmem_shared>>
        %dma_start3A_73 = arith.constant 0 : i32
        %dma_start3A_74 = tpu.memref_slice %arg4[%mul3A_68, %dma_start3A_73] : memref<10000x128xf32, #tpu.memory_space<hbm>> -> memref<624x128xf32, #tpu.memory_space<hbm>>
        tpu.enqueue_dma source(%dma_start3A_74 : memref<624x128xf32, #tpu.memory_space<hbm>>) target(%dma_start3A_72 : memref<624x128xf32, #tpu.memory_space<vmem_shared>>) target_semaphore(%run_scoped3A : memref<!tpu.dma_semaphore, #tpu.memory_space<semaphore_mem>>)
        %dma_wait3A = arith.constant 0 : i32
        %dma_wait3A_75 = tpu.memref_slice %arg13[%mul3A_70, %dma_wait3A] : memref<10000x128xf32, #tpu.memory_space<vmem_shared>> -> memref<624x128xf32, #tpu.memory_space<vmem_shared>>
        %dma_wait3A_76 = arith.constant 0 : i32
        %dma_wait3A_77 = tpu.memref_slice %arg4[%mul3A_68, %dma_wait3A_76] : memref<10000x128xf32, #tpu.memory_space<hbm>> -> memref<624x128xf32, #tpu.memory_space<hbm>>
        tpu.wait_dma2 semaphore(%run_scoped3A : memref<!tpu.dma_semaphore, #tpu.memory_space<semaphore_mem>>) src(%dma_wait3A_77 : memref<624x128xf32, #tpu.memory_space<hbm>>) dst(%dma_wait3A_75 : memref<624x128xf32, #tpu.memory_space<vmem_shared>>)
        tpu.yield
      }) : () -> ()
    } else {
    }
    %eq3A_25 = arith.constant 15 : i32
    %eq3A_26 = arith.cmpi eq, %arg1, %eq3A_25 : i32
    %convert_element_type3A_27 = arith.extui %eq3A_26 : i1 to i32
    %cond3A_28 = arith.constant 0 : i32
    %cond3A_29 = arith.cmpi ne, %convert_element_type3A_27, %cond3A_28 : i32
    scf.if %cond3A_29 {
      "tpu.region"() ({
        %run_scoped3A = tpu.sem_alloc : memref<!tpu.dma_semaphore, #tpu.memory_space<semaphore_mem>>
        %dma_start3A_67 = arith.constant 9360 : i32
        %dma_start3A_68 = arith.constant 0 : i32
        %dma_start3A_69 = tpu.memref_slice %arg13[%dma_start3A_67, %dma_start3A_68] : memref<10000x128xf32, #tpu.memory_space<vmem_shared>> -> memref<640x128xf32, #tpu.memory_space<vmem_shared>>
        %dma_start3A_70 = arith.constant 9360 : i32
        %dma_start3A_71 = arith.constant 0 : i32
        %dma_start3A_72 = tpu.memref_slice %arg4[%dma_start3A_70, %dma_start3A_71] : memref<10000x128xf32, #tpu.memory_space<hbm>> -> memref<640x128xf32, #tpu.memory_space<hbm>>
        tpu.enqueue_dma source(%dma_start3A_72 : memref<640x128xf32, #tpu.memory_space<hbm>>) target(%dma_start3A_69 : memref<640x128xf32, #tpu.memory_space<vmem_shared>>) target_semaphore(%run_scoped3A : memref<!tpu.dma_semaphore, #tpu.memory_space<semaphore_mem>>)
        %dma_wait3A = arith.constant 9360 : i32
        %dma_wait3A_73 = arith.constant 0 : i32
        %dma_wait3A_74 = tpu.memref_slice %arg13[%dma_wait3A, %dma_wait3A_73] : memref<10000x128xf32, #tpu.memory_space<vmem_shared>> -> memref<640x128xf32, #tpu.memory_space<vmem_shared>>
        %dma_wait3A_75 = arith.constant 9360 : i32
        %dma_wait3A_76 = arith.constant 0 : i32
        %dma_wait3A_77 = tpu.memref_slice %arg4[%dma_wait3A_75, %dma_wait3A_76] : memref<10000x128xf32, #tpu.memory_space<hbm>> -> memref<640x128xf32, #tpu.memory_space<hbm>>
        tpu.wait_dma2 semaphore(%run_scoped3A : memref<!tpu.dma_semaphore, #tpu.memory_space<semaphore_mem>>) src(%dma_wait3A_77 : memref<640x128xf32, #tpu.memory_space<hbm>>) dst(%dma_wait3A_74 : memref<640x128xf32, #tpu.memory_space<vmem_shared>>)
        tpu.yield
      }) : () -> ()
    } else {
    }
    "tpu.region"() ({
      %run_scoped3A = tpu.sem_alloc : memref<!tpu.dma_semaphore, #tpu.memory_space<semaphore_mem>>
      %dma_start3A_67 = arith.constant 0 : i32
      %dma_start3A_68 = tpu.memref_slice %arg3[%mul3A_2, %dma_start3A_67] : memref<1280x128xi32, #tpu.memory_space<hbm>> -> memref<40x128xi32, #tpu.memory_space<hbm>>
      %dma_start3A_69 = arith.constant 0 : i32
      %dma_start3A_70 = tpu.memref_slice %arg3[%mul3A_2, %dma_start3A_69] : memref<1280x128xi32, #tpu.memory_space<hbm>> -> memref<40x128xi32, #tpu.memory_space<hbm>>
      tpu.enqueue_dma source(%dma_start3A_70 : memref<40x128xi32, #tpu.memory_space<hbm>>) target(%arg6 : memref<40x128xi32, #tpu.memory_space<vmem>>) target_semaphore(%run_scoped3A : memref<!tpu.dma_semaphore, #tpu.memory_space<semaphore_mem>>)
      %dma_wait3A = arith.constant 0 : i32
      %dma_wait3A_71 = tpu.memref_slice %arg3[%mul3A_2, %dma_wait3A] : memref<1280x128xi32, #tpu.memory_space<hbm>> -> memref<40x128xi32, #tpu.memory_space<hbm>>
      %dma_wait3A_72 = arith.constant 0 : i32
      %dma_wait3A_73 = tpu.memref_slice %arg3[%mul3A_2, %dma_wait3A_72] : memref<1280x128xi32, #tpu.memory_space<hbm>> -> memref<40x128xi32, #tpu.memory_space<hbm>>
      tpu.wait_dma2 semaphore(%run_scoped3A : memref<!tpu.dma_semaphore, #tpu.memory_space<semaphore_mem>>) src(%dma_wait3A_73 : memref<40x128xi32, #tpu.memory_space<hbm>>) dst(%arg6 : memref<40x128xi32, #tpu.memory_space<vmem>>)
      tpu.yield
    }) : () -> ()
    %mul3A_30 = arith.constant 2 : i32
    %mul3A_31 = arith.muli %select_n3A_22, %mul3A_30 : i32
    %add3A_32 = arith.constant 0 : i32
    %add3A_33 = arith.addi %mul3A_2, %add3A_32 : i32
    %mul3A_34 = arith.constant 128 : i32
    %mul3A_35 = arith.muli %add3A_33, %mul3A_34 : i32
    %dma_start3A = arith.constant 0 : i32
    %dma_start3A_36 = tpu.memref_slice %arg2[%mul3A_35, %dma_start3A] : memref<160000x128xf32, #tpu.memory_space<hbm>> -> memref<128x128xf32, #tpu.memory_space<hbm>>
    %dma_start3A_37 = arith.constant 0 : i32
    %dma_start3A_38 = tpu.memref_slice %arg2[%mul3A_35, %dma_start3A_37] : memref<160000x128xf32, #tpu.memory_space<hbm>> -> memref<128x128xf32, #tpu.memory_space<hbm>>
    tpu.enqueue_dma source(%dma_start3A_38 : memref<128x128xf32, #tpu.memory_space<hbm>>) target(%arg7 : memref<128x128xf32, #tpu.memory_space<vmem>>) target_semaphore(%arg9 : memref<!tpu.dma_semaphore, #tpu.memory_space<semaphore_mem>>)
    %add3A_39 = arith.constant 1 : i32
    %add3A_40 = arith.addi %mul3A_2, %add3A_39 : i32
    %mul3A_41 = arith.constant 128 : i32
    %mul3A_42 = arith.muli %add3A_40, %mul3A_41 : i32
    %dma_start3A_43 = arith.constant 0 : i32
    %dma_start3A_44 = tpu.memref_slice %arg2[%mul3A_42, %dma_start3A_43] : memref<160000x128xf32, #tpu.memory_space<hbm>> -> memref<128x128xf32, #tpu.memory_space<hbm>>
    %dma_start3A_45 = arith.constant 0 : i32
    %dma_start3A_46 = tpu.memref_slice %arg2[%mul3A_42, %dma_start3A_45] : memref<160000x128xf32, #tpu.memory_space<hbm>> -> memref<128x128xf32, #tpu.memory_space<hbm>>
    tpu.enqueue_dma source(%dma_start3A_46 : memref<128x128xf32, #tpu.memory_space<hbm>>) target(%arg8 : memref<128x128xf32, #tpu.memory_space<vmem>>) target_semaphore(%arg10 : memref<!tpu.dma_semaphore, #tpu.memory_space<semaphore_mem>>)
    %barrier3A = arith.constant 0 : index
    tpu.barrier barrier_id(%barrier3A)
    %while3A = arith.constant 0 : i32
    %while3A_47 = arith.constant 0 : i32
    %while3A_48 = arith.subi %select_n3A_22, %while3A_47 : i32
    %while3A_49 = arith.addi %while3A_47, %while3A_48 : i32
    %while3A_50 = arith.constant 1 : i32
    %while3A_51 = arith.divsi %while3A_48, %while3A_50 : i32
    %while3A_52 = arith.muli %while3A_51, %while3A_50 : i32
    %while3A_53 = arith.addi %while3A_47, %while3A_52 : i32
    %while3A_54 = arith.constant 1 : i32
    scf.for %while3A_67 = %while3A_47 to %while3A_53 step %while3A_54  : i32 {
      %mul3A_68 = arith.constant 2 : i32
      %mul3A_69 = arith.muli %while3A_67, %mul3A_68 : i32
      %add3A_70 = arith.addi %mul3A_2, %mul3A_69 : i32
      %add3A_71 = arith.constant 0 : i32
      %add3A_72 = arith.addi %add3A_70, %add3A_71 : i32
      %mul3A_73 = arith.constant 128 : i32
      %mul3A_74 = arith.muli %add3A_72, %mul3A_73 : i32
      %dma_wait3A = arith.constant 0 : i32
      %dma_wait3A_75 = tpu.memref_slice %arg2[%mul3A_74, %dma_wait3A] : memref<160000x128xf32, #tpu.memory_space<hbm>> -> memref<128x128xf32, #tpu.memory_space<hbm>>
      %dma_wait3A_76 = arith.constant 0 : i32
      %dma_wait3A_77 = tpu.memref_slice %arg2[%mul3A_74, %dma_wait3A_76] : memref<160000x128xf32, #tpu.memory_space<hbm>> -> memref<128x128xf32, #tpu.memory_space<hbm>>
      tpu.wait_dma2 semaphore(%arg9 : memref<!tpu.dma_semaphore, #tpu.memory_space<semaphore_mem>>) src(%dma_wait3A_77 : memref<128x128xf32, #tpu.memory_space<hbm>>) dst(%arg7 : memref<128x128xf32, #tpu.memory_space<vmem>>)
      %add3A_78 = arith.constant 0 : i32
      %add3A_79 = arith.addi %mul3A_69, %add3A_78 : i32
      %dma_start3A_80 = arith.constant 0 : i32
      %dma_start3A_81 = tpu.memref_slice %arg6[%add3A_79, %dma_start3A_80] : memref<40x128xi32, #tpu.memory_space<vmem>> -> memref<1x128xi32, #tpu.memory_space<vmem>>
      %dma_start3A_82 = tpu.memref_squeeze %dma_start3A_81 : memref<1x128xi32, #tpu.memory_space<vmem>> -> memref<128xi32, #tpu.memory_space<vmem>>
      %dma_start3A_83 = arith.constant 0 : i32
      %dma_start3A_84 = arith.constant 0 : i32
      %dma_start3A_85 = tpu.memref_slice %arg13[%dma_start3A_83, %dma_start3A_84] : memref<10000x128xf32, #tpu.memory_space<vmem_shared>> -> memref<10000x128xf32, #tpu.memory_space<vmem_shared>>
      tpu.enqueue_indirect_dma source(%arg7 : memref<128x128xf32, #tpu.memory_space<vmem>>) target(%dma_start3A_85 : memref<10000x128xf32, #tpu.memory_space<vmem_shared>>) offsets(%dma_start3A_82 : memref<128xi32, #tpu.memory_space<vmem>>) semaphore(%arg11 : memref<!tpu.dma_semaphore, #tpu.memory_space<semaphore_mem>>) {add = true}
      %add3A_86 = arith.addi %mul3A_2, %mul3A_69 : i32
      %add3A_87 = arith.constant 1 : i32
      %add3A_88 = arith.addi %add3A_86, %add3A_87 : i32
      %mul3A_89 = arith.constant 128 : i32
      %mul3A_90 = arith.muli %add3A_88, %mul3A_89 : i32
      %dma_wait3A_91 = arith.constant 0 : i32
      %dma_wait3A_92 = tpu.memref_slice %arg2[%mul3A_90, %dma_wait3A_91] : memref<160000x128xf32, #tpu.memory_space<hbm>> -> memref<128x128xf32, #tpu.memory_space<hbm>>
      %dma_wait3A_93 = arith.constant 0 : i32
      %dma_wait3A_94 = tpu.memref_slice %arg2[%mul3A_90, %dma_wait3A_93] : memref<160000x128xf32, #tpu.memory_space<hbm>> -> memref<128x128xf32, #tpu.memory_space<hbm>>
      tpu.wait_dma2 semaphore(%arg10 : memref<!tpu.dma_semaphore, #tpu.memory_space<semaphore_mem>>) src(%dma_wait3A_94 : memref<128x128xf32, #tpu.memory_space<hbm>>) dst(%arg8 : memref<128x128xf32, #tpu.memory_space<vmem>>)
      %add3A_95 = arith.constant 1 : i32
      %add3A_96 = arith.addi %mul3A_69, %add3A_95 : i32
      %dma_start3A_97 = arith.constant 0 : i32
      %dma_start3A_98 = tpu.memref_slice %arg6[%add3A_96, %dma_start3A_97] : memref<40x128xi32, #tpu.memory_space<vmem>> -> memref<1x128xi32, #tpu.memory_space<vmem>>
      %dma_start3A_99 = tpu.memref_squeeze %dma_start3A_98 : memref<1x128xi32, #tpu.memory_space<vmem>> -> memref<128xi32, #tpu.memory_space<vmem>>
      %dma_start3A_100 = arith.constant 0 : i32
      %dma_start3A_101 = arith.constant 0 : i32
      %dma_start3A_102 = tpu.memref_slice %arg13[%dma_start3A_100, %dma_start3A_101] : memref<10000x128xf32, #tpu.memory_space<vmem_shared>> -> memref<10000x128xf32, #tpu.memory_space<vmem_shared>>
      tpu.enqueue_indirect_dma source(%arg8 : memref<128x128xf32, #tpu.memory_space<vmem>>) target(%dma_start3A_102 : memref<10000x128xf32, #tpu.memory_space<vmem_shared>>) offsets(%dma_start3A_99 : memref<128xi32, #tpu.memory_space<vmem>>) semaphore(%arg12 : memref<!tpu.dma_semaphore, #tpu.memory_space<semaphore_mem>>) {add = true}
      %add3A_103 = arith.constant 0 : i32
      %add3A_104 = arith.addi %mul3A_69, %add3A_103 : i32
      %dma_wait3A_105 = arith.constant 0 : i32
      %dma_wait3A_106 = tpu.memref_slice %arg6[%add3A_104, %dma_wait3A_105] : memref<40x128xi32, #tpu.memory_space<vmem>> -> memref<1x128xi32, #tpu.memory_space<vmem>>
      %dma_wait3A_107 = tpu.memref_squeeze %dma_wait3A_106 : memref<1x128xi32, #tpu.memory_space<vmem>> -> memref<128xi32, #tpu.memory_space<vmem>>
      %dma_wait3A_108 = arith.constant 0 : i32
      %dma_wait3A_109 = arith.constant 0 : i32
      %dma_wait3A_110 = tpu.memref_slice %arg13[%dma_wait3A_108, %dma_wait3A_109] : memref<10000x128xf32, #tpu.memory_space<vmem_shared>> -> memref<10000x128xf32, #tpu.memory_space<vmem_shared>>
      tpu.wait_indirect_dma semaphore(%arg11 : memref<!tpu.dma_semaphore, #tpu.memory_space<semaphore_mem>>) src(%arg7 : memref<128x128xf32, #tpu.memory_space<vmem>>) dst(%dma_wait3A_110 : memref<10000x128xf32, #tpu.memory_space<vmem_shared>>)
      %add3A_111 = arith.constant 2 : i32
      %add3A_112 = arith.addi %add3A_104, %add3A_111 : i32
      %lt3A_113 = arith.cmpi slt, %add3A_112, %mul3A_31 : i32
      %convert_element_type3A_114 = arith.extui %lt3A_113 : i1 to i32
      %cond3A_115 = arith.constant 0 : i32
      %cond3A_116 = arith.cmpi ne, %convert_element_type3A_114, %cond3A_115 : i32
      scf.if %cond3A_116 {
        %add3A_131 = arith.constant 2 : i32
        %add3A_132 = arith.addi %add3A_104, %add3A_131 : i32
        %add3A_133 = arith.addi %mul3A_2, %add3A_132 : i32
        %mul3A_134 = arith.constant 128 : i32
        %mul3A_135 = arith.muli %add3A_133, %mul3A_134 : i32
        %dma_start3A_136 = arith.constant 0 : i32
        %dma_start3A_137 = tpu.memref_slice %arg2[%mul3A_135, %dma_start3A_136] : memref<160000x128xf32, #tpu.memory_space<hbm>> -> memref<128x128xf32, #tpu.memory_space<hbm>>
        %dma_start3A_138 = arith.constant 0 : i32
        %dma_start3A_139 = tpu.memref_slice %arg2[%mul3A_135, %dma_start3A_138] : memref<160000x128xf32, #tpu.memory_space<hbm>> -> memref<128x128xf32, #tpu.memory_space<hbm>>
        tpu.enqueue_dma source(%dma_start3A_139 : memref<128x128xf32, #tpu.memory_space<hbm>>) target(%arg7 : memref<128x128xf32, #tpu.memory_space<vmem>>) target_semaphore(%arg9 : memref<!tpu.dma_semaphore, #tpu.memory_space<semaphore_mem>>)
      } else {
      }
      %add3A_117 = arith.constant 1 : i32
      %add3A_118 = arith.addi %mul3A_69, %add3A_117 : i32
      %dma_wait3A_119 = arith.constant 0 : i32
      %dma_wait3A_120 = tpu.memref_slice %arg6[%add3A_118, %dma_wait3A_119] : memref<40x128xi32, #tpu.memory_space<vmem>> -> memref<1x128xi32, #tpu.memory_space<vmem>>
      %dma_wait3A_121 = tpu.memref_squeeze %dma_wait3A_120 : memref<1x128xi32, #tpu.memory_space<vmem>> -> memref<128xi32, #tpu.memory_space<vmem>>
      %dma_wait3A_122 = arith.constant 0 : i32
      %dma_wait3A_123 = arith.constant 0 : i32
      %dma_wait3A_124 = tpu.memref_slice %arg13[%dma_wait3A_122, %dma_wait3A_123] : memref<10000x128xf32, #tpu.memory_space<vmem_shared>> -> memref<10000x128xf32, #tpu.memory_space<vmem_shared>>
      tpu.wait_indirect_dma semaphore(%arg12 : memref<!tpu.dma_semaphore, #tpu.memory_space<semaphore_mem>>) src(%arg8 : memref<128x128xf32, #tpu.memory_space<vmem>>) dst(%dma_wait3A_124 : memref<10000x128xf32, #tpu.memory_space<vmem_shared>>)
      %add3A_125 = arith.constant 2 : i32
      %add3A_126 = arith.addi %add3A_118, %add3A_125 : i32
      %lt3A_127 = arith.cmpi slt, %add3A_126, %mul3A_31 : i32
      %convert_element_type3A_128 = arith.extui %lt3A_127 : i1 to i32
      %cond3A_129 = arith.constant 0 : i32
      %cond3A_130 = arith.cmpi ne, %convert_element_type3A_128, %cond3A_129 : i32
      scf.if %cond3A_130 {
        %add3A_131 = arith.constant 2 : i32
        %add3A_132 = arith.addi %add3A_118, %add3A_131 : i32
        %add3A_133 = arith.addi %mul3A_2, %add3A_132 : i32
        %mul3A_134 = arith.constant 128 : i32
        %mul3A_135 = arith.muli %add3A_133, %mul3A_134 : i32
        %dma_start3A_136 = arith.constant 0 : i32
        %dma_start3A_137 = tpu.memref_slice %arg2[%mul3A_135, %dma_start3A_136] : memref<160000x128xf32, #tpu.memory_space<hbm>> -> memref<128x128xf32, #tpu.memory_space<hbm>>
        %dma_start3A_138 = arith.constant 0 : i32
        %dma_start3A_139 = tpu.memref_slice %arg2[%mul3A_135, %dma_start3A_138] : memref<160000x128xf32, #tpu.memory_space<hbm>> -> memref<128x128xf32, #tpu.memory_space<hbm>>
        tpu.enqueue_dma source(%dma_start3A_139 : memref<128x128xf32, #tpu.memory_space<hbm>>) target(%arg8 : memref<128x128xf32, #tpu.memory_space<vmem>>) target_semaphore(%arg10 : memref<!tpu.dma_semaphore, #tpu.memory_space<semaphore_mem>>)
      } else {
      }
    }
    %while3A_55 = arith.constant 1 : i32
    scf.for %while3A_67 = %while3A_53 to %while3A_49 step %while3A_55  : i32 {
      %mul3A_68 = arith.constant 2 : i32
      %mul3A_69 = arith.muli %while3A_67, %mul3A_68 : i32
      %add3A_70 = arith.addi %mul3A_2, %mul3A_69 : i32
      %add3A_71 = arith.constant 0 : i32
      %add3A_72 = arith.addi %add3A_70, %add3A_71 : i32
      %mul3A_73 = arith.constant 128 : i32
      %mul3A_74 = arith.muli %add3A_72, %mul3A_73 : i32
      %dma_wait3A = arith.constant 0 : i32
      %dma_wait3A_75 = tpu.memref_slice %arg2[%mul3A_74, %dma_wait3A] : memref<160000x128xf32, #tpu.memory_space<hbm>> -> memref<128x128xf32, #tpu.memory_space<hbm>>
      %dma_wait3A_76 = arith.constant 0 : i32
      %dma_wait3A_77 = tpu.memref_slice %arg2[%mul3A_74, %dma_wait3A_76] : memref<160000x128xf32, #tpu.memory_space<hbm>> -> memref<128x128xf32, #tpu.memory_space<hbm>>
      tpu.wait_dma2 semaphore(%arg9 : memref<!tpu.dma_semaphore, #tpu.memory_space<semaphore_mem>>) src(%dma_wait3A_77 : memref<128x128xf32, #tpu.memory_space<hbm>>) dst(%arg7 : memref<128x128xf32, #tpu.memory_space<vmem>>)
      %add3A_78 = arith.constant 0 : i32
      %add3A_79 = arith.addi %mul3A_69, %add3A_78 : i32
      %dma_start3A_80 = arith.constant 0 : i32
      %dma_start3A_81 = tpu.memref_slice %arg6[%add3A_79, %dma_start3A_80] : memref<40x128xi32, #tpu.memory_space<vmem>> -> memref<1x128xi32, #tpu.memory_space<vmem>>
      %dma_start3A_82 = tpu.memref_squeeze %dma_start3A_81 : memref<1x128xi32, #tpu.memory_space<vmem>> -> memref<128xi32, #tpu.memory_space<vmem>>
      %dma_start3A_83 = arith.constant 0 : i32
      %dma_start3A_84 = arith.constant 0 : i32
      %dma_start3A_85 = tpu.memref_slice %arg13[%dma_start3A_83, %dma_start3A_84] : memref<10000x128xf32, #tpu.memory_space<vmem_shared>> -> memref<10000x128xf32, #tpu.memory_space<vmem_shared>>
      tpu.enqueue_indirect_dma source(%arg7 : memref<128x128xf32, #tpu.memory_space<vmem>>) target(%dma_start3A_85 : memref<10000x128xf32, #tpu.memory_space<vmem_shared>>) offsets(%dma_start3A_82 : memref<128xi32, #tpu.memory_space<vmem>>) semaphore(%arg11 : memref<!tpu.dma_semaphore, #tpu.memory_space<semaphore_mem>>) {add = true}
      %add3A_86 = arith.addi %mul3A_2, %mul3A_69 : i32
      %add3A_87 = arith.constant 1 : i32
      %add3A_88 = arith.addi %add3A_86, %add3A_87 : i32
      %mul3A_89 = arith.constant 128 : i32
      %mul3A_90 = arith.muli %add3A_88, %mul3A_89 : i32
      %dma_wait3A_91 = arith.constant 0 : i32
      %dma_wait3A_92 = tpu.memref_slice %arg2[%mul3A_90, %dma_wait3A_91] : memref<160000x128xf32, #tpu.memory_space<hbm>> -> memref<128x128xf32, #tpu.memory_space<hbm>>
      %dma_wait3A_93 = arith.constant 0 : i32
      %dma_wait3A_94 = tpu.memref_slice %arg2[%mul3A_90, %dma_wait3A_93] : memref<160000x128xf32, #tpu.memory_space<hbm>> -> memref<128x128xf32, #tpu.memory_space<hbm>>
      tpu.wait_dma2 semaphore(%arg10 : memref<!tpu.dma_semaphore, #tpu.memory_space<semaphore_mem>>) src(%dma_wait3A_94 : memref<128x128xf32, #tpu.memory_space<hbm>>) dst(%arg8 : memref<128x128xf32, #tpu.memory_space<vmem>>)
      %add3A_95 = arith.constant 1 : i32
      %add3A_96 = arith.addi %mul3A_69, %add3A_95 : i32
      %dma_start3A_97 = arith.constant 0 : i32
      %dma_start3A_98 = tpu.memref_slice %arg6[%add3A_96, %dma_start3A_97] : memref<40x128xi32, #tpu.memory_space<vmem>> -> memref<1x128xi32, #tpu.memory_space<vmem>>
      %dma_start3A_99 = tpu.memref_squeeze %dma_start3A_98 : memref<1x128xi32, #tpu.memory_space<vmem>> -> memref<128xi32, #tpu.memory_space<vmem>>
      %dma_start3A_100 = arith.constant 0 : i32
      %dma_start3A_101 = arith.constant 0 : i32
      %dma_start3A_102 = tpu.memref_slice %arg13[%dma_start3A_100, %dma_start3A_101] : memref<10000x128xf32, #tpu.memory_space<vmem_shared>> -> memref<10000x128xf32, #tpu.memory_space<vmem_shared>>
      tpu.enqueue_indirect_dma source(%arg8 : memref<128x128xf32, #tpu.memory_space<vmem>>) target(%dma_start3A_102 : memref<10000x128xf32, #tpu.memory_space<vmem_shared>>) offsets(%dma_start3A_99 : memref<128xi32, #tpu.memory_space<vmem>>) semaphore(%arg12 : memref<!tpu.dma_semaphore, #tpu.memory_space<semaphore_mem>>) {add = true}
      %add3A_103 = arith.constant 0 : i32
      %add3A_104 = arith.addi %mul3A_69, %add3A_103 : i32
      %dma_wait3A_105 = arith.constant 0 : i32
      %dma_wait3A_106 = tpu.memref_slice %arg6[%add3A_104, %dma_wait3A_105] : memref<40x128xi32, #tpu.memory_space<vmem>> -> memref<1x128xi32, #tpu.memory_space<vmem>>
      %dma_wait3A_107 = tpu.memref_squeeze %dma_wait3A_106 : memref<1x128xi32, #tpu.memory_space<vmem>> -> memref<128xi32, #tpu.memory_space<vmem>>
      %dma_wait3A_108 = arith.constant 0 : i32
      %dma_wait3A_109 = arith.constant 0 : i32
      %dma_wait3A_110 = tpu.memref_slice %arg13[%dma_wait3A_108, %dma_wait3A_109] : memref<10000x128xf32, #tpu.memory_space<vmem_shared>> -> memref<10000x128xf32, #tpu.memory_space<vmem_shared>>
      tpu.wait_indirect_dma semaphore(%arg11 : memref<!tpu.dma_semaphore, #tpu.memory_space<semaphore_mem>>) src(%arg7 : memref<128x128xf32, #tpu.memory_space<vmem>>) dst(%dma_wait3A_110 : memref<10000x128xf32, #tpu.memory_space<vmem_shared>>)
      %add3A_111 = arith.constant 2 : i32
      %add3A_112 = arith.addi %add3A_104, %add3A_111 : i32
      %lt3A_113 = arith.cmpi slt, %add3A_112, %mul3A_31 : i32
      %convert_element_type3A_114 = arith.extui %lt3A_113 : i1 to i32
      %cond3A_115 = arith.constant 0 : i32
      %cond3A_116 = arith.cmpi ne, %convert_element_type3A_114, %cond3A_115 : i32
      scf.if %cond3A_116 {
        %add3A_131 = arith.constant 2 : i32
        %add3A_132 = arith.addi %add3A_104, %add3A_131 : i32
        %add3A_133 = arith.addi %mul3A_2, %add3A_132 : i32
        %mul3A_134 = arith.constant 128 : i32
        %mul3A_135 = arith.muli %add3A_133, %mul3A_134 : i32
        %dma_start3A_136 = arith.constant 0 : i32
        %dma_start3A_137 = tpu.memref_slice %arg2[%mul3A_135, %dma_start3A_136] : memref<160000x128xf32, #tpu.memory_space<hbm>> -> memref<128x128xf32, #tpu.memory_space<hbm>>
        %dma_start3A_138 = arith.constant 0 : i32
        %dma_start3A_139 = tpu.memref_slice %arg2[%mul3A_135, %dma_start3A_138] : memref<160000x128xf32, #tpu.memory_space<hbm>> -> memref<128x128xf32, #tpu.memory_space<hbm>>
        tpu.enqueue_dma source(%dma_start3A_139 : memref<128x128xf32, #tpu.memory_space<hbm>>) target(%arg7 : memref<128x128xf32, #tpu.memory_space<vmem>>) target_semaphore(%arg9 : memref<!tpu.dma_semaphore, #tpu.memory_space<semaphore_mem>>)
      } else {
      }
      %add3A_117 = arith.constant 1 : i32
      %add3A_118 = arith.addi %mul3A_69, %add3A_117 : i32
      %dma_wait3A_119 = arith.constant 0 : i32
      %dma_wait3A_120 = tpu.memref_slice %arg6[%add3A_118, %dma_wait3A_119] : memref<40x128xi32, #tpu.memory_space<vmem>> -> memref<1x128xi32, #tpu.memory_space<vmem>>
      %dma_wait3A_121 = tpu.memref_squeeze %dma_wait3A_120 : memref<1x128xi32, #tpu.memory_space<vmem>> -> memref<128xi32, #tpu.memory_space<vmem>>
      %dma_wait3A_122 = arith.constant 0 : i32
      %dma_wait3A_123 = arith.constant 0 : i32
      %dma_wait3A_124 = tpu.memref_slice %arg13[%dma_wait3A_122, %dma_wait3A_123] : memref<10000x128xf32, #tpu.memory_space<vmem_shared>> -> memref<10000x128xf32, #tpu.memory_space<vmem_shared>>
      tpu.wait_indirect_dma semaphore(%arg12 : memref<!tpu.dma_semaphore, #tpu.memory_space<semaphore_mem>>) src(%arg8 : memref<128x128xf32, #tpu.memory_space<vmem>>) dst(%dma_wait3A_124 : memref<10000x128xf32, #tpu.memory_space<vmem_shared>>)
      %add3A_125 = arith.constant 2 : i32
      %add3A_126 = arith.addi %add3A_118, %add3A_125 : i32
      %lt3A_127 = arith.cmpi slt, %add3A_126, %mul3A_31 : i32
      %convert_element_type3A_128 = arith.extui %lt3A_127 : i1 to i32
      %cond3A_129 = arith.constant 0 : i32
      %cond3A_130 = arith.cmpi ne, %convert_element_type3A_128, %cond3A_129 : i32
      scf.if %cond3A_130 {
        %add3A_131 = arith.constant 2 : i32
        %add3A_132 = arith.addi %add3A_118, %add3A_131 : i32
        %add3A_133 = arith.addi %mul3A_2, %add3A_132 : i32
        %mul3A_134 = arith.constant 128 : i32
        %mul3A_135 = arith.muli %add3A_133, %mul3A_134 : i32
        %dma_start3A_136 = arith.constant 0 : i32
        %dma_start3A_137 = tpu.memref_slice %arg2[%mul3A_135, %dma_start3A_136] : memref<160000x128xf32, #tpu.memory_space<hbm>> -> memref<128x128xf32, #tpu.memory_space<hbm>>
        %dma_start3A_138 = arith.constant 0 : i32
        %dma_start3A_139 = tpu.memref_slice %arg2[%mul3A_135, %dma_start3A_138] : memref<160000x128xf32, #tpu.memory_space<hbm>> -> memref<128x128xf32, #tpu.memory_space<hbm>>
        tpu.enqueue_dma source(%dma_start3A_139 : memref<128x128xf32, #tpu.memory_space<hbm>>) target(%arg8 : memref<128x128xf32, #tpu.memory_space<vmem>>) target_semaphore(%arg10 : memref<!tpu.dma_semaphore, #tpu.memory_space<semaphore_mem>>)
      } else {
      }
    }
    %barrier3A_56 = arith.constant 0 : index
    tpu.barrier barrier_id(%barrier3A_56)
    %lt3A_57 = arith.constant 15 : i32
    %lt3A_58 = arith.cmpi slt, %arg1, %lt3A_57 : i32
    %convert_element_type3A_59 = arith.extui %lt3A_58 : i1 to i32
    %cond3A_60 = arith.constant 0 : i32
    %cond3A_61 = arith.cmpi ne, %convert_element_type3A_59, %cond3A_60 : i32
    scf.if %cond3A_61 {
      %mul3A_67 = arith.constant 624 : i32
      %mul3A_68 = arith.muli %arg1, %mul3A_67 : i32
      %mul3A_69 = arith.constant 624 : i32
      %mul3A_70 = arith.muli %arg1, %mul3A_69 : i32
      "tpu.region"() ({
        %run_scoped3A = tpu.sem_alloc : memref<!tpu.dma_semaphore, #tpu.memory_space<semaphore_mem>>
        %dma_start3A_71 = arith.constant 0 : i32
        %dma_start3A_72 = tpu.memref_slice %arg5[%arg0, %mul3A_70, %dma_start3A_71] : memref<2x10000x128xf32, #tpu.memory_space<hbm>> -> memref<1x624x128xf32, #tpu.memory_space<hbm>>
        %dma_start3A_73 = tpu.memref_squeeze %dma_start3A_72 : memref<1x624x128xf32, #tpu.memory_space<hbm>> -> memref<624x128xf32, #tpu.memory_space<hbm>>
        %dma_start3A_74 = arith.constant 0 : i32
        %dma_start3A_75 = tpu.memref_slice %arg13[%mul3A_68, %dma_start3A_74] : memref<10000x128xf32, #tpu.memory_space<vmem_shared>> -> memref<624x128xf32, #tpu.memory_space<vmem_shared>>
        tpu.enqueue_dma source(%dma_start3A_75 : memref<624x128xf32, #tpu.memory_space<vmem_shared>>) target(%dma_start3A_73 : memref<624x128xf32, #tpu.memory_space<hbm>>) target_semaphore(%run_scoped3A : memref<!tpu.dma_semaphore, #tpu.memory_space<semaphore_mem>>)
        %dma_wait3A = arith.constant 0 : i32
        %dma_wait3A_76 = tpu.memref_slice %arg5[%arg0, %mul3A_70, %dma_wait3A] : memref<2x10000x128xf32, #tpu.memory_space<hbm>> -> memref<1x624x128xf32, #tpu.memory_space<hbm>>
        %dma_wait3A_77 = tpu.memref_squeeze %dma_wait3A_76 : memref<1x624x128xf32, #tpu.memory_space<hbm>> -> memref<624x128xf32, #tpu.memory_space<hbm>>
        %dma_wait3A_78 = arith.constant 0 : i32
        %dma_wait3A_79 = tpu.memref_slice %arg13[%mul3A_68, %dma_wait3A_78] : memref<10000x128xf32, #tpu.memory_space<vmem_shared>> -> memref<624x128xf32, #tpu.memory_space<vmem_shared>>
        tpu.wait_dma2 semaphore(%run_scoped3A : memref<!tpu.dma_semaphore, #tpu.memory_space<semaphore_mem>>) src(%dma_wait3A_79 : memref<624x128xf32, #tpu.memory_space<vmem_shared>>) dst(%dma_wait3A_77 : memref<624x128xf32, #tpu.memory_space<hbm>>)
        tpu.yield
      }) : () -> ()
    } else {
    }
    %eq3A_62 = arith.constant 15 : i32
    %eq3A_63 = arith.cmpi eq, %arg1, %eq3A_62 : i32
    %convert_element_type3A_64 = arith.extui %eq3A_63 : i1 to i32
    %cond3A_65 = arith.constant 0 : i32
    %cond3A_66 = arith.cmpi ne, %convert_element_type3A_64, %cond3A_65 : i32
    scf.if %cond3A_66 {
      "tpu.region"() ({
        %run_scoped3A = tpu.sem_alloc : memref<!tpu.dma_semaphore, #tpu.memory_space<semaphore_mem>>
        %dma_start3A_67 = arith.constant 9360 : i32
        %dma_start3A_68 = arith.constant 0 : i32
        %dma_start3A_69 = tpu.memref_slice %arg5[%arg0, %dma_start3A_67, %dma_start3A_68] : memref<2x10000x128xf32, #tpu.memory_space<hbm>> -> memref<1x640x128xf32, #tpu.memory_space<hbm>>
        %dma_start3A_70 = tpu.memref_squeeze %dma_start3A_69 : memref<1x640x128xf32, #tpu.memory_space<hbm>> -> memref<640x128xf32, #tpu.memory_space<hbm>>
        %dma_start3A_71 = arith.constant 9360 : i32
        %dma_start3A_72 = arith.constant 0 : i32
        %dma_start3A_73 = tpu.memref_slice %arg13[%dma_start3A_71, %dma_start3A_72] : memref<10000x128xf32, #tpu.memory_space<vmem_shared>> -> memref<640x128xf32, #tpu.memory_space<vmem_shared>>
        tpu.enqueue_dma source(%dma_start3A_73 : memref<640x128xf32, #tpu.memory_space<vmem_shared>>) target(%dma_start3A_70 : memref<640x128xf32, #tpu.memory_space<hbm>>) target_semaphore(%run_scoped3A : memref<!tpu.dma_semaphore, #tpu.memory_space<semaphore_mem>>)
        %dma_wait3A = arith.constant 9360 : i32
        %dma_wait3A_74 = arith.constant 0 : i32
        %dma_wait3A_75 = tpu.memref_slice %arg5[%arg0, %dma_wait3A, %dma_wait3A_74] : memref<2x10000x128xf32, #tpu.memory_space<hbm>> -> memref<1x640x128xf32, #tpu.memory_space<hbm>>
        %dma_wait3A_76 = tpu.memref_squeeze %dma_wait3A_75 : memref<1x640x128xf32, #tpu.memory_space<hbm>> -> memref<640x128xf32, #tpu.memory_space<hbm>>
        %dma_wait3A_77 = arith.constant 9360 : i32
        %dma_wait3A_78 = arith.constant 0 : i32
        %dma_wait3A_79 = tpu.memref_slice %arg13[%dma_wait3A_77, %dma_wait3A_78] : memref<10000x128xf32, #tpu.memory_space<vmem_shared>> -> memref<640x128xf32, #tpu.memory_space<vmem_shared>>
        tpu.wait_dma2 semaphore(%run_scoped3A : memref<!tpu.dma_semaphore, #tpu.memory_space<semaphore_mem>>) src(%dma_wait3A_79 : memref<640x128xf32, #tpu.memory_space<vmem_shared>>) dst(%dma_wait3A_76 : memref<640x128xf32, #tpu.memory_space<hbm>>)
        tpu.yield
      }) : () -> ()
    } else {
    }
    return
  }
}

module attributes {stable_mosaic.version = 14 : i64} {
  func.func @_edge_body(%arg0: i32, %arg1: memref<6400x128xf32, #tpu.memory_space<vmem>>, %arg2: memref<16x6400xf32, #tpu.memory_space<vmem>>, %arg3: memref<16x128xf32, #tpu.memory_space<vmem>>, %arg4: memref<6400x128xf32, #tpu.memory_space<vmem>>) attributes {dimension_semantics = [#tpu.dimension_semantics<arbitrary>], iteration_bounds = array<i64: 25>, scalar_prefetch = 0 : i64, scratch_operands = 0 : i64, tpu.core_type = #tpu.core_type<tc>, window_params = [{transform_indices = @transform_0, window_bounds = array<i64: 6400, 128>}, {transform_indices = @transform_1, window_bounds = array<i64: 16, 6400>}, {pipeline_mode = #tpu.pipeline_mode<synchronous>, transform_indices = @transform_2, window_bounds = array<i64: 16, 128>}, {transform_indices = @transform_3, window_bounds = array<i64: 6400, 128>}]} {
    %get3A = arith.constant 0 : index
    %get3A_0 = arith.constant 0 : index
    %get3A_1 = vector.load %arg2[%get3A, %get3A_0] : memref<16x6400xf32, #tpu.memory_space<vmem>>, vector<16x6400xf32>
    %get3A_2 = arith.constant 0 : index
    %get3A_3 = arith.constant 0 : index
    %get3A_4 = vector.load %arg3[%get3A_2, %get3A_3] : memref<16x128xf32, #tpu.memory_space<vmem>>, vector<16x128xf32>
    %dot_general3A = arith.constant dense<0.000000e+00> : vector<6400x128xf32>
    %dot_general3A_5 = tpu.matmul %get3A_1, %get3A_4, %dot_general3A {dimension_numbers = #tpu.dot_dimension_numbers<[0], [0], [1], [1], [0, 1, 1, 1], [], []>, transpose_lhs_hint = false} : vector<16x6400xf32>, vector<16x128xf32>, vector<6400x128xf32> -> vector<6400x128xf32>
    %get3A_6 = arith.constant 0 : index
    %get3A_7 = arith.constant 0 : index
    %get3A_8 = vector.load %arg1[%get3A_6, %get3A_7] : memref<6400x128xf32, #tpu.memory_space<vmem>>, vector<6400x128xf32>
    %mul3A = arith.mulf %get3A_8, %dot_general3A_5 : vector<6400x128xf32>
    %swap3A = arith.constant 0 : index
    %swap3A_9 = arith.constant 0 : index
    %swap3A_10 = vector.load %arg4[%swap3A, %swap3A_9] : memref<6400x128xf32, #tpu.memory_space<vmem>>, vector<6400x128xf32>
    tpu.vector_store %arg4[%swap3A, %swap3A_9], %mul3A {strides = array<i32>} : memref<6400x128xf32, #tpu.memory_space<vmem>>, vector<6400x128xf32>,
    return
  }
  func.func @transform_0(%arg0: i32) -> (i32, i32) {
    %add3A = arith.constant 25 : i32
    %add3A_0 = arith.addi %arg0, %add3A : i32
    %c0_i32 = arith.constant 0 : i32
    %c0_i32_1 = arith.constant 0 : i32
    return %add3A_0, %c0_i32 : i32, i32
  }
  func.func @transform_1(%arg0: i32) -> (i32, i32) {
    %add3A = arith.constant 25 : i32
    %add3A_0 = arith.addi %arg0, %add3A : i32
    %c0_i32 = arith.constant 0 : i32
    %c0_i32_1 = arith.constant 0 : i32
    return %c0_i32, %add3A_0 : i32, i32
  }
  func.func @transform_2(%arg0: i32) -> (i32, i32) {
    %c0_i32 = arith.constant 0 : i32
    %c0_i32_0 = arith.constant 0 : i32
    %c0_i32_1 = arith.constant 0 : i32
    return %c0_i32, %c0_i32_0 : i32, i32
  }
  func.func @transform_3(%arg0: i32) -> (i32, i32) {
    %c0_i32 = arith.constant 0 : i32
    %c0_i32_0 = arith.constant 0 : i32
    return %arg0, %c0_i32 : i32, i32
  }
}

module attributes {stable_mosaic.version = 14 : i64} {
  func.func @_edge_body(%arg0: i32, %arg1: memref<6400x128xf32, #tpu.memory_space<vmem>>, %arg2: memref<16x6400xf32, #tpu.memory_space<vmem>>, %arg3: memref<16x128xf32, #tpu.memory_space<vmem>>, %arg4: memref<6400x128xf32, #tpu.memory_space<vmem>>) attributes {dimension_semantics = [#tpu.dimension_semantics<arbitrary>], iteration_bounds = array<i64: 25>, scalar_prefetch = 0 : i64, scratch_operands = 0 : i64, tpu.core_type = #tpu.core_type<tc>, window_params = [{transform_indices = @transform_0, window_bounds = array<i64: 6400, 128>}, {transform_indices = @transform_1, window_bounds = array<i64: 16, 6400>}, {pipeline_mode = #tpu.pipeline_mode<synchronous>, transform_indices = @transform_2, window_bounds = array<i64: 16, 128>}, {transform_indices = @transform_3, window_bounds = array<i64: 6400, 128>}]} {
    %get3A = arith.constant 0 : index
    %get3A_0 = arith.constant 0 : index
    %get3A_1 = vector.load %arg2[%get3A, %get3A_0] : memref<16x6400xf32, #tpu.memory_space<vmem>>, vector<16x6400xf32>
    %get3A_2 = arith.constant 0 : index
    %get3A_3 = arith.constant 0 : index
    %get3A_4 = vector.load %arg3[%get3A_2, %get3A_3] : memref<16x128xf32, #tpu.memory_space<vmem>>, vector<16x128xf32>
    %dot_general3A = arith.constant dense<0.000000e+00> : vector<6400x128xf32>
    %dot_general3A_5 = tpu.matmul %get3A_1, %get3A_4, %dot_general3A {dimension_numbers = #tpu.dot_dimension_numbers<[0], [0], [1], [1], [0, 1, 1, 1], [], []>, transpose_lhs_hint = false} : vector<16x6400xf32>, vector<16x128xf32>, vector<6400x128xf32> -> vector<6400x128xf32>
    %get3A_6 = arith.constant 0 : index
    %get3A_7 = arith.constant 0 : index
    %get3A_8 = vector.load %arg1[%get3A_6, %get3A_7] : memref<6400x128xf32, #tpu.memory_space<vmem>>, vector<6400x128xf32>
    %mul3A = arith.mulf %get3A_8, %dot_general3A_5 : vector<6400x128xf32>
    %swap3A = arith.constant 0 : index
    %swap3A_9 = arith.constant 0 : index
    %swap3A_10 = vector.load %arg4[%swap3A, %swap3A_9] : memref<6400x128xf32, #tpu.memory_space<vmem>>, vector<6400x128xf32>
    tpu.vector_store %arg4[%swap3A, %swap3A_9], %mul3A {strides = array<i32>} : memref<6400x128xf32, #tpu.memory_space<vmem>>, vector<6400x128xf32>,
    return
  }
  func.func @transform_0(%arg0: i32) -> (i32, i32) {
    %add3A = arith.constant 0 : i32
    %add3A_0 = arith.addi %arg0, %add3A : i32
    %c0_i32 = arith.constant 0 : i32
    %c0_i32_1 = arith.constant 0 : i32
    return %add3A_0, %c0_i32 : i32, i32
  }
  func.func @transform_1(%arg0: i32) -> (i32, i32) {
    %add3A = arith.constant 0 : i32
    %add3A_0 = arith.addi %arg0, %add3A : i32
    %c0_i32 = arith.constant 0 : i32
    %c0_i32_1 = arith.constant 0 : i32
    return %c0_i32, %add3A_0 : i32, i32
  }
  func.func @transform_2(%arg0: i32) -> (i32, i32) {
    %c0_i32 = arith.constant 0 : i32
    %c0_i32_0 = arith.constant 0 : i32
    %c0_i32_1 = arith.constant 0 : i32
    return %c0_i32, %c0_i32_0 : i32, i32
  }
  func.func @transform_3(%arg0: i32) -> (i32, i32) {
    %c0_i32 = arith.constant 0 : i32
    %c0_i32_0 = arith.constant 0 : i32
    return %arg0, %c0_i32 : i32, i32
  }
}

module attributes {stable_mosaic.version = 14 : i64} {
  func.func @_mlp_body(%arg0: i32, %arg1: memref<2x2000x128xf32, #tpu.memory_space<vmem>>, %arg2: memref<2x2000x128xf32, #tpu.memory_space<vmem>>, %arg3: memref<128x128xf32, #tpu.memory_space<vmem>>, %arg4: memref<128x128xf32, #tpu.memory_space<vmem>>, %arg5: memref<128x128xf32, #tpu.memory_space<vmem>>, %arg6: memref<128x128xf32, #tpu.memory_space<vmem>>, %arg7: memref<128x128xf32, #tpu.memory_space<vmem>>, %arg8: memref<2000x128xf32, #tpu.memory_space<vmem>>) attributes {dimension_semantics = [#tpu.dimension_semantics<arbitrary>], iteration_bounds = array<i64: 5>, scalar_prefetch = 0 : i64, scratch_operands = 0 : i64, tpu.core_type = #tpu.core_type<tc>, window_params = [{transform_indices = @transform_0, window_bounds = array<i64: 2, 2000, 128>}, {transform_indices = @transform_1, window_bounds = array<i64: 2, 2000, 128>}, {pipeline_mode = #tpu.pipeline_mode<synchronous>, transform_indices = @transform_2, window_bounds = array<i64: 128, 128>}, {pipeline_mode = #tpu.pipeline_mode<synchronous>, transform_indices = @transform_3, window_bounds = array<i64: 128, 128>}, {pipeline_mode = #tpu.pipeline_mode<synchronous>, transform_indices = @transform_4, window_bounds = array<i64: 128, 128>}, {pipeline_mode = #tpu.pipeline_mode<synchronous>, transform_indices = @transform_5, window_bounds = array<i64: 128, 128>}, {pipeline_mode = #tpu.pipeline_mode<synchronous>, transform_indices = @transform_6, window_bounds = array<i64: 128, 128>}, {transform_indices = @transform_7, window_bounds = array<i64: 2000, 128>}]} {
    %get3A = arith.constant 0 : index
    %get3A_0 = arith.constant 0 : index
    %get3A_1 = arith.constant 0 : index
    %get3A_2 = vector.load %arg1[%get3A, %get3A_0, %get3A_1] : memref<2x2000x128xf32, #tpu.memory_space<vmem>>, vector<1x2000x128xf32>
    %get3A_3 = vector.shape_cast %get3A_2 : vector<1x2000x128xf32> to vector<2000x128xf32>
    %get3A_4 = arith.constant 1 : index
    %get3A_5 = arith.constant 0 : index
    %get3A_6 = arith.constant 0 : index
    %get3A_7 = vector.load %arg1[%get3A_4, %get3A_5, %get3A_6] : memref<2x2000x128xf32, #tpu.memory_space<vmem>>, vector<1x2000x128xf32>
    %get3A_8 = vector.shape_cast %get3A_7 : vector<1x2000x128xf32> to vector<2000x128xf32>
    %add3A = arith.addf %get3A_3, %get3A_8 : vector<2000x128xf32>
    %get3A_9 = arith.constant 0 : index
    %get3A_10 = arith.constant 0 : index
    %get3A_11 = arith.constant 0 : index
    %get3A_12 = vector.load %arg2[%get3A_9, %get3A_10, %get3A_11] : memref<2x2000x128xf32, #tpu.memory_space<vmem>>, vector<1x2000x128xf32>
    %get3A_13 = vector.shape_cast %get3A_12 : vector<1x2000x128xf32> to vector<2000x128xf32>
    %get3A_14 = arith.constant 1 : index
    %get3A_15 = arith.constant 0 : index
    %get3A_16 = arith.constant 0 : index
    %get3A_17 = vector.load %arg2[%get3A_14, %get3A_15, %get3A_16] : memref<2x2000x128xf32, #tpu.memory_space<vmem>>, vector<1x2000x128xf32>
    %get3A_18 = vector.shape_cast %get3A_17 : vector<1x2000x128xf32> to vector<2000x128xf32>
    %add3A_19 = arith.addf %get3A_13, %get3A_18 : vector<2000x128xf32>
    %add3A_20 = arith.addf %add3A, %add3A_19 : vector<2000x128xf32>
    %get3A_21 = arith.constant 0 : index
    %get3A_22 = arith.constant 0 : index
    %get3A_23 = vector.load %arg3[%get3A_21, %get3A_22] : memref<128x128xf32, #tpu.memory_space<vmem>>, vector<128x128xf32>
    %dot_general3A = arith.constant dense<0.000000e+00> : vector<2000x128xf32>
    %dot_general3A_24 = tpu.matmul %add3A_20, %get3A_23, %dot_general3A {dimension_numbers = #tpu.dot_dimension_numbers<[1], [0], [0], [1], [0, 0, 1, 1], [], []>, transpose_lhs_hint = false} : vector<2000x128xf32>, vector<128x128xf32>, vector<2000x128xf32> -> vector<2000x128xf32>
    %logistic3A = arith.negf %dot_general3A_24 : vector<2000x128xf32>
    %logistic3A_25 = math.exp %logistic3A : vector<2000x128xf32>
    %logistic3A_26 = arith.constant 1.000000e+00 : f32
    %logistic3A_27 = vector.broadcast %logistic3A_26 : f32 to vector<2000x128xf32>
    %logistic3A_28 = arith.addf %logistic3A_27, %logistic3A_25 : vector<2000x128xf32>
    %logistic3A_29 = arith.divf %logistic3A_27, %logistic3A_28 : vector<2000x128xf32>
    %mul3A = arith.mulf %dot_general3A_24, %logistic3A_29 : vector<2000x128xf32>
    %mul3A_30 = arith.constant 1.66666663 : f32
    %mul3A_31 = vector.broadcast %mul3A_30 : f32 to vector<2000x128xf32>
    %mul3A_32 = arith.mulf %mul3A, %mul3A_31 : vector<2000x128xf32>
    %get3A_33 = arith.constant 0 : index
    %get3A_34 = arith.constant 0 : index
    %get3A_35 = vector.load %arg4[%get3A_33, %get3A_34] : memref<128x128xf32, #tpu.memory_space<vmem>>, vector<128x128xf32>
    %dot_general3A_36 = arith.constant dense<0.000000e+00> : vector<2000x128xf32>
    %dot_general3A_37 = tpu.matmul %mul3A_32, %get3A_35, %dot_general3A_36 {dimension_numbers = #tpu.dot_dimension_numbers<[1], [0], [0], [1], [0, 0, 1, 1], [], []>, transpose_lhs_hint = false} : vector<2000x128xf32>, vector<128x128xf32>, vector<2000x128xf32> -> vector<2000x128xf32>
    %logistic3A_38 = arith.negf %dot_general3A_37 : vector<2000x128xf32>
    %logistic3A_39 = math.exp %logistic3A_38 : vector<2000x128xf32>
    %logistic3A_40 = arith.constant 1.000000e+00 : f32
    %logistic3A_41 = vector.broadcast %logistic3A_40 : f32 to vector<2000x128xf32>
    %logistic3A_42 = arith.addf %logistic3A_41, %logistic3A_39 : vector<2000x128xf32>
    %logistic3A_43 = arith.divf %logistic3A_41, %logistic3A_42 : vector<2000x128xf32>
    %mul3A_44 = arith.mulf %dot_general3A_37, %logistic3A_43 : vector<2000x128xf32>
    %mul3A_45 = arith.constant 1.66666663 : f32
    %mul3A_46 = vector.broadcast %mul3A_45 : f32 to vector<2000x128xf32>
    %mul3A_47 = arith.mulf %mul3A_44, %mul3A_46 : vector<2000x128xf32>
    %get3A_48 = arith.constant 0 : index
    %get3A_49 = arith.constant 0 : index
    %get3A_50 = vector.load %arg5[%get3A_48, %get3A_49] : memref<128x128xf32, #tpu.memory_space<vmem>>, vector<128x128xf32>
    %dot_general3A_51 = arith.constant dense<0.000000e+00> : vector<2000x128xf32>
    %dot_general3A_52 = tpu.matmul %mul3A_47, %get3A_50, %dot_general3A_51 {dimension_numbers = #tpu.dot_dimension_numbers<[1], [0], [0], [1], [0, 0, 1, 1], [], []>, transpose_lhs_hint = false} : vector<2000x128xf32>, vector<128x128xf32>, vector<2000x128xf32> -> vector<2000x128xf32>
    %logistic3A_53 = arith.negf %dot_general3A_52 : vector<2000x128xf32>
    %logistic3A_54 = math.exp %logistic3A_53 : vector<2000x128xf32>
    %logistic3A_55 = arith.constant 1.000000e+00 : f32
    %logistic3A_56 = vector.broadcast %logistic3A_55 : f32 to vector<2000x128xf32>
    %logistic3A_57 = arith.addf %logistic3A_56, %logistic3A_54 : vector<2000x128xf32>
    %logistic3A_58 = arith.divf %logistic3A_56, %logistic3A_57 : vector<2000x128xf32>
    %mul3A_59 = arith.mulf %dot_general3A_52, %logistic3A_58 : vector<2000x128xf32>
    %mul3A_60 = arith.constant 1.66666663 : f32
    %mul3A_61 = vector.broadcast %mul3A_60 : f32 to vector<2000x128xf32>
    %mul3A_62 = arith.mulf %mul3A_59, %mul3A_61 : vector<2000x128xf32>
    %add3A_63 = arith.addf %mul3A_32, %mul3A_62 : vector<2000x128xf32>
    %mul3A_64 = arith.constant 0.707106769 : f32
    %mul3A_65 = vector.broadcast %mul3A_64 : f32 to vector<2000x128xf32>
    %mul3A_66 = arith.mulf %add3A_63, %mul3A_65 : vector<2000x128xf32>
    %get3A_67 = arith.constant 0 : index
    %get3A_68 = arith.constant 0 : index
    %get3A_69 = vector.load %arg6[%get3A_67, %get3A_68] : memref<128x128xf32, #tpu.memory_space<vmem>>, vector<128x128xf32>
    %dot_general3A_70 = arith.constant dense<0.000000e+00> : vector<2000x128xf32>
    %dot_general3A_71 = tpu.matmul %mul3A_66, %get3A_69, %dot_general3A_70 {dimension_numbers = #tpu.dot_dimension_numbers<[1], [0], [0], [1], [0, 0, 1, 1], [], []>, transpose_lhs_hint = false} : vector<2000x128xf32>, vector<128x128xf32>, vector<2000x128xf32> -> vector<2000x128xf32>
    %logistic3A_72 = arith.negf %dot_general3A_71 : vector<2000x128xf32>
    %logistic3A_73 = math.exp %logistic3A_72 : vector<2000x128xf32>
    %logistic3A_74 = arith.constant 1.000000e+00 : f32
    %logistic3A_75 = vector.broadcast %logistic3A_74 : f32 to vector<2000x128xf32>
    %logistic3A_76 = arith.addf %logistic3A_75, %logistic3A_73 : vector<2000x128xf32>
    %logistic3A_77 = arith.divf %logistic3A_75, %logistic3A_76 : vector<2000x128xf32>
    %mul3A_78 = arith.mulf %dot_general3A_71, %logistic3A_77 : vector<2000x128xf32>
    %mul3A_79 = arith.constant 1.66666663 : f32
    %mul3A_80 = vector.broadcast %mul3A_79 : f32 to vector<2000x128xf32>
    %mul3A_81 = arith.mulf %mul3A_78, %mul3A_80 : vector<2000x128xf32>
    %get3A_82 = arith.constant 0 : index
    %get3A_83 = arith.constant 0 : index
    %get3A_84 = vector.load %arg7[%get3A_82, %get3A_83] : memref<128x128xf32, #tpu.memory_space<vmem>>, vector<128x128xf32>
    %dot_general3A_85 = arith.constant dense<0.000000e+00> : vector<2000x128xf32>
    %dot_general3A_86 = tpu.matmul %mul3A_81, %get3A_84, %dot_general3A_85 {dimension_numbers = #tpu.dot_dimension_numbers<[1], [0], [0], [1], [0, 0, 1, 1], [], []>, transpose_lhs_hint = false} : vector<2000x128xf32>, vector<128x128xf32>, vector<2000x128xf32> -> vector<2000x128xf32>
    %logistic3A_87 = arith.negf %dot_general3A_86 : vector<2000x128xf32>
    %logistic3A_88 = math.exp %logistic3A_87 : vector<2000x128xf32>
    %logistic3A_89 = arith.constant 1.000000e+00 : f32
    %logistic3A_90 = vector.broadcast %logistic3A_89 : f32 to vector<2000x128xf32>
    %logistic3A_91 = arith.addf %logistic3A_90, %logistic3A_88 : vector<2000x128xf32>
    %logistic3A_92 = arith.divf %logistic3A_90, %logistic3A_91 : vector<2000x128xf32>
    %mul3A_93 = arith.mulf %dot_general3A_86, %logistic3A_92 : vector<2000x128xf32>
    %mul3A_94 = arith.constant 1.66666663 : f32
    %mul3A_95 = vector.broadcast %mul3A_94 : f32 to vector<2000x128xf32>
    %mul3A_96 = arith.mulf %mul3A_93, %mul3A_95 : vector<2000x128xf32>
    %add3A_97 = arith.addf %mul3A_66, %mul3A_96 : vector<2000x128xf32>
    %mul3A_98 = arith.constant 0.707106769 : f32
    %mul3A_99 = vector.broadcast %mul3A_98 : f32 to vector<2000x128xf32>
    %mul3A_100 = arith.mulf %add3A_97, %mul3A_99 : vector<2000x128xf32>
    %swap3A = arith.constant 0 : index
    %swap3A_101 = arith.constant 0 : index
    %swap3A_102 = vector.load %arg8[%swap3A, %swap3A_101] : memref<2000x128xf32, #tpu.memory_space<vmem>>, vector<2000x128xf32>
    tpu.vector_store %arg8[%swap3A, %swap3A_101], %mul3A_100 {strides = array<i32>} : memref<2000x128xf32, #tpu.memory_space<vmem>>, vector<2000x128xf32>,
    return
  }
  func.func @transform_0(%arg0: i32) -> (i32, i32, i32) {
    %c0_i32 = arith.constant 0 : i32
    %c0_i32_0 = arith.constant 0 : i32
    %c0_i32_1 = arith.constant 0 : i32
    return %c0_i32, %arg0, %c0_i32_0 : i32, i32, i32
  }
  func.func @transform_1(%arg0: i32) -> (i32, i32, i32) {
    %c0_i32 = arith.constant 0 : i32
    %c0_i32_0 = arith.constant 0 : i32
    %c0_i32_1 = arith.constant 0 : i32
    return %c0_i32, %arg0, %c0_i32_0 : i32, i32, i32
  }
  func.func @transform_2(%arg0: i32) -> (i32, i32) {
    %c0_i32 = arith.constant 0 : i32
    %c0_i32_0 = arith.constant 0 : i32
    %c0_i32_1 = arith.constant 0 : i32
    return %c0_i32, %c0_i32_0 : i32, i32
  }
  func.func @transform_3(%arg0: i32) -> (i32, i32) {
    %c0_i32 = arith.constant 0 : i32
    %c0_i32_0 = arith.constant 0 : i32
    %c0_i32_1 = arith.constant 0 : i32
    return %c0_i32, %c0_i32_0 : i32, i32
  }
  func.func @transform_4(%arg0: i32) -> (i32, i32) {
    %c0_i32 = arith.constant 0 : i32
    %c0_i32_0 = arith.constant 0 : i32
    %c0_i32_1 = arith.constant 0 : i32
    return %c0_i32, %c0_i32_0 : i32, i32
  }
  func.func @transform_5(%arg0: i32) -> (i32, i32) {
    %c0_i32 = arith.constant 0 : i32
    %c0_i32_0 = arith.constant 0 : i32
    %c0_i32_1 = arith.constant 0 : i32
    return %c0_i32, %c0_i32_0 : i32, i32
  }
  func.func @transform_6(%arg0: i32) -> (i32, i32) {
    %c0_i32 = arith.constant 0 : i32
    %c0_i32_0 = arith.constant 0 : i32
    %c0_i32_1 = arith.constant 0 : i32
    return %c0_i32, %c0_i32_0 : i32, i32
  }
  func.func @transform_7(%arg0: i32) -> (i32, i32) {
    %c0_i32 = arith.constant 0 : i32
    %c0_i32_0 = arith.constant 0 : i32
    return %arg0, %c0_i32 : i32, i32
  }
}

</mosaic_0001>

<sc_bundles>
// kernel: kernel.10.cloned.1.call-start
scs
__scs_entry_jumppad:
0x0: {  	(pc) =	sbr.rel $0x88, $3  }
0x1: {  	(tag) =	ssettag $0x0;
	lr =	simm.s32 $0x1  }
0x2: {  	[smem:$0x3F98] =	sst lr;
	_ =	strace $0xD0000000  }
0x3: {  	_ = 	snop  }
0x4: {  	_ = 	snop  }
0x5: {  	_ = 	snop  }
0x6: {  	_ = 	snop  }
0x7: {  	_ = 	snop  }
__scs_overlays_trampoline_lowered:
0x8: {  	[smem:$0x3FA7] =	sst s0  }
0x9: {  	[smem:$0x3FA8] =	sst s1  }
0xa: {  	[smem:$0x3FA9] =	sst s2  }
0xb: {  	[smem:$0x3FAA] =	sst s3  }
0xc: {  	[smem:$0x3FAB] =	sst s4  }
0xd: {  	[smem:$0x3FAC] =	sst s5  }
0xe: {  	[smem:$0x3FAD] =	sst s6  }
0xf: {  	[smem:$0x3FAE] =	sst s7  }
0x10: {  	[smem:$0x3FAF] =	sst s8  }
0x11: {  	[smem:$0x3FB0] =	sst s9;
	s0 =	simm.s32 @!p0 $0x0  }
0x12: {  	s1 =	sld [smem:$0x3F96];
	s0 =	simm.s32 @p0 $0x1  }
0x13: {  	[smem:$0x3FB1] =	sst s0;
	s0 =	simm.s32 @!p1 $0x0  }
0x14: {  	s2 =	sld [smem:$0x3F95];
	s0 =	simm.s32 @p1 $0x1  }
0x15: {  	[smem:$0x3FB2] =	sst s0;
	s0 =	simm.s32 @!p2 $0x0  }
0x16: {  	s3 =	sld [smem:$0x3FDB];
	s0 =	simm.s32 @p2 $0x1  }
0x17: {  	s4 =	simm.s32 $0x1BF5;
	[smem:$0x3FB4] =	sst s0  }
0x18: {  	s0 =	sld [smem:$0x3F97];
	_ =	swait.ge [sflag:s4], $0x0  }
0x19: {  	s7 =	sld [smem:$0x3F98]  }
0x1a: {  	s8 =	sadd.s32 $0xFFFFE003, lr  }
0x1b: {  	s9 =	sadd.s32 $0xFFFFFEF7, lr;
	s5 =	simm.s32 $0xFFFFFFFF;
	p2 =	slt.u32 s8, $0xFFFFF086  }
0x1c: {  	p1 =	slt.u32 s9, $0xF7A;
	s5 =	simm.s32 @!p2 $0x0  }
0x1d: {  	s5 =	simm.s32 @p1 $0x1;
	p0 =	seq.s32 s7, s2  }
0x1e: {  	s7 =	smul.u32 @!p0 $0xF7A, s2;
	p2 =	seq.s32 @!p0 s5, $0x0  }
0x1f: {  	s9 =	smul.u32 $0xF7A, s1;
	s8 =	simm.s32 @!p0 $0x1BF5;
	p2 =	por !p2, p0  }
0x20: {  	[sflag:s8] =	ssyncset.s32 @!p0 $0xFFFFF086;
	s6 =	sadd.s32 @!p0 s3, s7;
	s7 =	simm.s32 @!p0 $0x108  }
0x21: {  	s3 =	sadd.s32 s3, s9;
	s6 =	sadd.s32 @!p0 $0x88, s6;
	s7 =	simm.s32 @p2 $0x1082  }
0x22: {  	[simem:s7], [sflag:s8] =	dma.local @!p0 [hbm:s6], $0xF7A  }
0x23: {  	s9 =	sor.u32 $0xD0000000, s2;
	s6 =	simm.s32 $0x108;
	_ =	swait.ge @!p0 [sflag:s8], $0x0  }
0x24: {  	s3 =	sadd.s32 $0x88, s3;
	s6 =	simm.s32 @!p1 $0x1082;
	[sflag:s4] =	ssyncset.s32 $0xFFFFF086  }
0x25: {  	[simem:s6], [sflag:s4] =	dma.local [hbm:s3], $0xF7A  }
0x26: {  	[smem:$0x3F98] =	sst s1;
	(tag) =	ssettag s2;
	_ =	strace s9  }
0x27: {  	s1 =	sld [smem:$0x3FA8]  }
0x28: {  	s2 =	sld [smem:$0x3FA9]  }
0x29: {  	s4 =	sld [smem:$0x3FAB]  }
0x2a: {  	p0 =	seq.s32 s5, $0x0;
	s5 =	sld [smem:$0x3FAC]  }
0x2b: {  	s6 =	sld [smem:$0x3FAD]  }
0x2c: {  	s7 =	sld [smem:$0x3FAE]  }
0x2d: {  	s3 =	simm.s32 $0x108;
	s8 =	sld [smem:$0x3FAF]  }
0x2e: {  	s3 =	simm.s32 @!p0 $0x1082;
	s9 =	sld [smem:$0x3FB0]  }
0x2f: {  	lr =	sadd.s32 s0, s3;
	s0 =	sld [smem:$0x3FA7]  }
0x30: {  	s3 =	sld [smem:$0x3FAA]  }
0x31: {  	[smem:$0x3FB3] =	sst s10  }
0x32: {  	s10 =	sld [smem:$0x3FB1];
	_ =	sdelay $0x3  }
0x33: {  	p0 =	seq.s32 s10, $0x1;
	s10 =	sld [smem:$0x3FB3];
	_ =	sdelay $0x3  }
0x34: {  	[smem:$0x3FB3] =	sst s10  }
0x35: {  	s10 =	sld [smem:$0x3FB2];
	_ =	sdelay $0x3  }
0x36: {  	p1 =	seq.s32 s10, $0x1;
	s10 =	sld [smem:$0x3FB3];
	_ =	sdelay $0x3  }
0x37: {  	[smem:$0x3FB3] =	sst s10  }
0x38: {  	s10 =	sld [smem:$0x3FB4]  }
0x39: {  	_ = 	snop;
	(pc) =	sbr.ind lr, $3  }
0x3a: {  	_ = 	snop  }
0x3b: {  	_ = 	snop  }
0x3c: {  	p2 =	seq.s32 s10, $0x1;
	s10 =	sld [smem:$0x3FB3]  }
0x3d: {  	_ =	shalt  }
0x3e: {  	_ =	shalt  }
0x3f: {  	_ =	shalt  }
0x40: {  	_ =	shalt  }
0x41: {  	_ =	shalt  }
0x42: {  	_ =	shalt  }
0x43: {  	_ =	shalt  }
0x44: {  	_ =	shalt  }
0x45: {  	_ =	shalt  }
0x46: {  	_ =	shalt  }
0x47: {  	_ =	shalt  }
0x48: {  	_ =	shalt  }
0x49: {  	_ =	shalt  }
0x4a: {  	_ =	shalt  }
0x4b: {  	_ =	shalt  }
0x4c: {  	_ =	shalt  }
0x4d: {  	_ =	shalt  }
0x4e: {  	_ =	shalt  }
0x4f: {  	_ =	shalt  }
0x50: {  	_ =	shalt  }
0x51: {  	_ =	shalt  }
0x52: {  	_ =	shalt  }
0x53: {  	_ =	shalt  }
0x54: {  	_ =	shalt  }
0x55: {  	_ =	shalt  }
0x56: {  	_ =	shalt  }
0x57: {  	_ =	shalt  }
0x58: {  	_ =	shalt  }
0x59: {  	_ =	shalt  }
0x5a: {  	_ =	shalt  }
0x5b: {  	_ =	shalt  }
0x5c: {  	_ =	shalt  }
0x5d: {  	_ =	shalt  }
0x5e: {  	_ =	shalt  }
0x5f: {  	_ =	shalt  }
0x60: {  	_ =	shalt  }
0x61: {  	_ =	shalt  }
0x62: {  	_ =	shalt  }
0x63: {  	_ =	shalt  }
0x64: {  	_ =	shalt  }
0x65: {  	_ =	shalt  }
0x66: {  	_ =	shalt  }
0x67: {  	_ =	shalt  }
0x68: {  	_ =	shalt  }
0x69: {  	_ =	shalt  }
0x6a: {  	_ =	shalt  }
0x6b: {  	_ =	shalt  }
0x6c: {  	_ =	shalt  }
0x6d: {  	_ =	shalt  }
0x6e: {  	_ =	shalt  }
0x6f: {  	_ =	shalt  }
0x70: {  	_ =	shalt  }
0x71: {  	_ =	shalt  }
0x72: {  	_ =	shalt  }
0x73: {  	_ =	shalt  }
0x74: {  	_ =	shalt  }
0x75: {  	_ =	shalt  }
0x76: {  	_ =	shalt  }
0x77: {  	_ =	shalt  }
0x78: {  	_ =	shalt  }
0x79: {  	_ =	shalt  }
0x7a: {  	_ =	shalt  }
0x7b: {  	_ =	shalt  }
0x7c: {  	_ =	shalt  }
0x7d: {  	_ =	shalt  }
0x7e: {  	_ =	shalt  }
0x7f: {  	_ =	shalt  }
0x80: {  	_ =	shalt  }
0x81: {  	_ =	shalt  }
0x82: {  	_ =	shalt  }
0x83: {  	_ =	shalt  }
0x84: {  	_ =	shalt  }
0x85: {  	_ =	shalt  }
0x86: {  	_ =	shalt  }
0x87: {  	_ =	shalt  }
.Lfunc_end0:
.L_simem_size_0:
called_computation.1_lowered:
.L_overlay_start_0:
0x88: {  	s2 =	sld [smem:$0x3FD9]  }
0x89: {  	s3 =	sld [smem:$0x3FFE];
	_ =	sdelay $0x1  }
0x8a: {  	s1 =	srdreg.scid  }
0x8b: {  	s0 =	sand.u32 $0x1, s1  }
0x8c: {  	s17 =	sshll.u32 s0, $0xA;
	s2 =	sadd.s32 s3, s2  }
0x8d: {  	s2 =	sadd.s32 s2, s17  }
0x8e: {  	[smem:$0x3FBF] =	sst s2  }
0x8f: {  	_ = 	snop  }
0x90: {  	s2 =	sld [smem:$0x3FD0];
	(tm) =	ssettm $0x1  }
0x91: {  	s18 =	sld [smem:$0x3FFB];
	_ =	sdelay $0x3  }
0x92: {  	_ =	strace s18  }
0x93: {  	s3 =	sld [smem:$0x3FFC];
	_ =	sdelay $0x3  }
0x94: {  	_ =	strace s3  }
0x95: {  	s3 =	sld [smem:$0x3FFD];
	_ =	sdelay $0x3  }
0x96: {  	_ =	strace s3  }
0x97: {  	_ =	strace $0x8FFFFFFF  }
0x98: {  	s19 =	sld [smem:$0x3FDB];
	_ =	sdelay $0x1  }
0x99: {  	s4 =	simm.s32 $_scs_section_size  }
0x9a: {  	s5 =	simm.s32 $_size__tile_overlayer_lowered;
	s6 =	simm.s32 $_tile_overlayer_lowered  }
0x9b: {  	s22 =	simm.s32 $0x1BFF;
	s21 =	sshll.u32 s6, $0x1;
	s3 =	sadd.s32 s4, s19  }
0x9c: {  	s7 =	simm.s32 $0x0;
	s20 =	sshll.u32 s5, $0x1;
	s5 =	sadd.s32 s21, s3  }
0x9d: {  	[timem:s7], [sflag:s22] =	dma.local [hbm:s5], s20  }
0x9e: {  	_ =	swait.ge [sflag:s22], s20  }
0x9f: {  	s4 =	ssub.s32 $0x0, s20;
	[sflag:s22] =	ssyncset.done $0x0  }
0xa0: {  	[sflag:s22] =	ssyncadd.s32 s4;
	_ =	sdelay $0x1  }
0xa1: {  	s23 =	simm.s32 $0x1B8B  }
0xa2: {  	_ =	swait.ge [sflag:s23], $0x1  }
0xa3: {  	[sflag:s23] =	ssyncset.done $0x0  }
0xa4: {  	s25 =	simm.s32 $0x1B8E;
	s24 =	sld [smem:$0x3FFE];
	[sflag:s23] =	ssyncadd.s32 $0xFFFFFFFF  }
0xa5: {  	s26 =	simm.s32 $execute0_lowered;
	[smem:$0x3FD2] =	sst s25  }
0xa6: {  	s5 =	sshll.u32 s26, $0x1;
	_ =	strace $0x80000046;
	[dreg:$0x1] =	wrdreg $0xFFFFFFFF  }
0xa7: {  	s28 =	simm.s32 $_size_execute0_lowered;
	s3 =	sadd.s32 s3, s5;
	[dreg:$0x0] =	wrdreg $0x0  }
0xa8: {  	s5 =	sshll.u32 s28, $0x1;
	[dreg:$0x2] =	wrdreg s3  }
0xa9: {  	[dreg:$0x3] =	wrdreg s5  }
0xaa: {  	[dreg:$0x4] =	wrdreg $0xC0  }
0xab: {  	_ =	task [dreg:s7], $0x5FFFF  }
0xac: {  	[dreg:$0x1] =	wrdreg $0xFFFFFFFF  }
0xad: {  	[dreg:$0x0] =	wrdreg $0x60  }
0xae: {  	[dreg:$0x2] =	wrdreg s24  }
0xaf: {  	[dreg:$0x3] =	wrdreg s2  }
0xb0: {  	[dreg:$0x4] =	wrdreg $0x94000  }
0xb1: {  	[dreg:$0x5] =	wrdreg $0xA  }
0xb2: {  	_ =	task.clear_ibuf [dreg:s7], $0x6FFFF;
	_ =	strace $0x90000046  }
0xb3: {  	s29 =	simm.s32 $0xA;
	_ =	strace $0x80000048  }
0xb4: {  	_ =	swait.ge [sflag:s29], $0x1  }
0xb5: {  	[sflag:s29] =	ssyncadd.s32 $0xFFFFFFFF  }
0xb6: {  	_ =	strace $0x90000048  }
0xb7: {  	_ =	sfence  }
0xb8: {  	s30 =	sld [smem:$0x0];
	_ =	sdelay $0x2  }
0xb9: {  	s31 =	sshll.u32 s1, $0xD;
	s1 =	sshrl.u32 s1, $0x2  }
0xba: {  	s3 =	sand.u32 $0x4000, s31;
	s1 =	sadd.s32 s1, s30  }
0xbb: {  	s0 =	sor.u32 s3, s0;
	s1 =	sshll.u32 s1, $0x11  }
0xbc: {  	s0 =	sor.u32 s1, s0  }
0xbd: {  	s0 =	sadd.s32 $0x8F2B, s0  }
0xbe: {  	[sflag:s0] =	ssyncadd.remote.s32 $0x1  }
0xbf: {  	_ =	sfence.sel $0xFFFF  }
0xc0: {  	[dreg:$0x0] =	wrdreg $0xFFFFFFFF;
	(pc) =	sbr.abs _section_cstart, $3  }
0xc1: {  	[dreg:$0x1] =	wrdreg $0xFFFFFFFF  }
0xc2: {  	_ =	task.clear_ibuf [dreg:s7], $0x2FFFF;
	_ =	strace $0x9FFFFFFF  }
0xc3: {  	(tm) =	ssettm $0x7FFFFFFF  }
tec
execute0_lowered:
.L_overlay_start_1:
0x0: {  	(tag) =	ssettag $0x1  }
0x1: {  	s0 =	rddreg [dreg:$0x0]  }
0x2: {  	s1 =	rddreg [dreg:$0x1];
	s16 =	stileid.u32  }
0x3: {  	s3 =	srdreg.scid;
	s21 =	smul.u32 $0x4E000, s16  }
0x4: {  	s2 =	rddreg [dreg:$0x2];
	s14 =	simm.s32 $0x5;
	s11 =	smul.u32 $0x2700, s16  }
0x5: {  	s28 =	simm.s32 $0x0;
	s5 =	sand.u32 $0x1, s3;
	s24 =	smul.u32 $0x13800, s16  }
0x6: {  	s4 =	sshll.u32 s16, $0x1;
	s3 =	simm.s32 $0x0;
	s12 =	smul.u32 $0x50, s16  }
0x7: {  	s17 =	sadd.s32 $0x124800, s2;
	s6 =	sor.u32 s5, s4;
	s23 =	smul.u32 $0x138800, s5  }
0x8: {  	[smem:$0x7FF] =	sst s3;
	s8 =	ssub.s32 $0x2, s5;
	s5 =	smul.u32 $0x28, s5  }
0x9: {  	s7 =	sadd.s32 $0x6C00, s0;
	s4 =	smul.u32 $0x280, s6;
	_ =	strace $0x80000047  }
0xa: {  	s20 =	sshrl.u32 s8, $0x1;
	p0 =	seq.s32 s6, $0x1F;
	s6 =	smul.u32 $0x14000, s6  }
0xb: {  	s22 =	sadd.s32 s1, s11;
	s1 =	sadd.s32 $0x24900, s1;
	s10 =	ssub.s32 s8, s20  }
0xc: {  	s14 =	simm.s32 @!p0 $0x14;
	s8 =	sshrl.u32 s21, $0x2;
	[dreg:$0x4] =	wrdreg s22  }
0xd: {  	[dreg:$0x5] =	wrdreg s1;
	s1 =	sadd.s32 s24, s23;
	s26 =	sshrl.u32 s23, $0x3  }
0xe: {  	s29 =	sadd.s32 s5, s12;
	p0 =	seq.s32 s16, $0xF;
	s20 =	simm.s32 $0x1400  }
0xf: {  	s21 =	simm.s32 $0x5400;
	s22 =	simm.s32 $0x1;
	s23 =	simm.s32 $0x80  }
0x10: {  	s24 =	simm.s32 $0x2;
	s9 =	sadd.s32 s4, s0;
	s0 =	sadd.s32 $0x277C00, s0  }
0x11: {  	s4 =	simm.s32 $0x5;
	s19 =	sadd.s32 s8, s2;
	s8 =	sshll.u32 s14, $0x1  }
0x12: {  	s6 =	sadd.s32 s7, s6;
	s1 =	sshrl.u32 s1, $0x3;
	s13 =	smax.u32 s10, $0x1  }
0x13: {  	s30 =	sshll.u32 s29, $0xB;
	s31 =	sshll.u32 s14, $0xC;
	s17 =	sshrl.u32 @p0 s17, $0x3  }
0x14: {  	s25 =	sadd.s32 $0x1C00, s9;
	[dreg:$0x7] =	wrdreg s6;
	s6 =	sadd.s32 $0x800, s6  }
0x15: {  	s1 =	sadd.s32 s0, s1;
	s0 =	sadd.s32 s0, s26;
	[dreg:$0x6] =	wrdreg s25  }
0x16: {  	s14 =	sadd.s32 $0xFFFFF000, s31;
	s19 =	sshrl.u32 @!p0 s19, $0x3;
	[dreg:$0x8] =	wrdreg s6  }
0x17: {  	s26 =	simm.s32 $0x4;
	[dreg:$0x9] =	wrdreg s1;
	s12 =	sadd.s32 $0x24900, s0  }
0x18: {  	s0 =	sadd.s32 s30, s7;
	s1 =	sshll.u32 @!p0 s16, $0x6;
	s25 =	simm.s32 $0x3  }
0x19: {  	s15 =	sadd.s32 $0x1800, s0;
	s16 =	sadd.s32 $0x1000, s0;
	s18 =	sor.u32 @!p0 $0x1C05, s1  }
.LBB2_1:
0x1a: {  	s31 =	simm.s32 @p0 $0x1FC5;
	s0 =	rddreg [dreg:$0x5];
	s30 =	simm.s32 @p0 $0x5  }
0x1b: {  	[spmem:s17], [sflag:s31] =	dma.local @p0 [hbm:s0], $0x2800  }
0x1c: {  	_ =	swait.ge @p0 [sflag:s30], $0x2800  }
0x1d: {  	[sflag:s30] =	ssyncset.done @p0 $0x0  }
0x1e: {  	s29 =	simm.s32 @!p0 $0x5;
	s0 =	rddreg [dreg:$0x4];
	[sflag:s30] =	ssyncadd.s32 @p0 $0xFFFFD800  }
0x1f: {  	[spmem:s19], [sflag:s18] =	dma.local @!p0 [hbm:s0], $0x2700  }
0x20: {  	_ =	swait.ge @!p0 [sflag:s29], $0x2700  }
0x21: {  	[sflag:s29] =	ssyncset.done @!p0 $0x0  }
0x22: {  	s7 =	rddreg [dreg:$0x6];
	[sflag:s29] =	ssyncadd.s32 @!p0 $0xFFFFD900  }
0x23: {  	[tilespmem:s3], [sflag:$0x5] =	stream.linear.gather [hbm4b:s7+s3], $0x1400, $0x38;
	[tilespmem:$0x1CC80] =	vst v63  }
0x24: {  	_ =	swait.ge [sflag:s4], $0x1400  }
0x25: {  	[sflag:s4] =	ssyncset.done $0x0  }
0x26: {  	s9 =	rddreg [dreg:$0x7];
	[sflag:s4] =	ssyncadd.s32 $0xFFFFEC00  }
0x27: {  	[tilespmem:s20], [sflag:$0x1] =	stream.linear.gather [hbm4b:s9+s3], $0x4000, $0x38;
	[tilespmem:$0x1CC80] =	vst v63  }
0x28: {  	s10 =	rddreg [dreg:$0x8]  }
0x29: {  	[tilespmem:s21], [sflag:$0x2] =	stream.linear.gather [hbm4b:s10+s3], $0x4000, $0x38;
	[tilespmem:$0x1CC80] =	vst v63  }
0x2a: {  	[bflag:$0x0] =	sbarrier.arrive $0xFFFF  }
0x2b: {  	_ =	swait.ge [sflag:s22], $0x4000  }
0x2c: {  	[sflag:s22] =	ssyncset.done $0x0  }
0x2d: {  	s11 =	simm.s32 $0x0;
	[sflag:s22] =	ssyncadd.s32 $0xFFFFC000  }
0x2e: {  	[spmem:s2] =	stream.indirect.scatter.add.f32 [tilespmem:s20], [sflag:$0x3], $0x80, s11, s23, $0xb8;
	[tilespmem:$0x1CC80] =	vst v63  }
0x2f: {  	_ =	swait.ge [sflag:s24], $0x4000  }
0x30: {  	[sflag:s24] =	ssyncset.done $0x0  }
0x31: {  	[sflag:s24] =	ssyncadd.s32 $0xFFFFC000  }
0x32: {  	[spmem:s2] =	stream.indirect.scatter.add.f32 [tilespmem:s21], [sflag:$0x4], $0x80, s23, s23, $0xb8;
	[tilespmem:$0x1CC80] =	vst v63  }
0x33: {  	p1 =	sle.u32 s8, $0x2;
	_ =	swait.ge [sflag:s25], $0x4000  }
0x34: {  	s5 =	simm.s32 @!p1 $0x0;
	[sflag:s25] =	ssyncset.done $0x0  }
0x35: {  	s6 =	simm.s32 @!p1 $0x1400;
	s0 =	sadd.s32 @!p1 $0x0, s16;
	[sflag:s25] =	ssyncadd.s32 $0xFFFFC000  }
0x36: {  	[tilespmem:s6], [sflag:$0x1] =	stream.linear.gather @!p1 [hbm4b:s0+s5], $0x4000, $0x38;
	[tilespmem:$0x1CC80] =	vst v63  }
0x37: {  	p1 =	sne.s32 s14, $0x1000  }
.Ltmp0:
0x38: {  	_ = 	snop;
	(pc) =	sbr.rel @!p1 .LBB2_3-.Ltmp0, $4  }
0x39: {  	p2 =	sle.u32 s8, $0x3  }
0x3a: {  	s1 =	simm.s32 $0x1000;
	s7 =	sadd.s32 @!p2 $0x0, s15  }
0x3b: {  	s10 =	simm.s32 @!p2 $0x5400;
	s5 =	simm.s32 $0x180;
	_ =	swait.ge [sflag:s26], $0x4000  }
0x3c: {  	s0 =	simm.s32 $0x5;
	s6 =	simm.s32 $0x80;
	[sflag:s26] =	ssyncset.done $0x0  }
.LBB2_2:
0x3d: {  	s6 =	smov.u32 s5;
	s9 =	simm.s32 @!p2 $0x0  }
0x3e: {  	s11 =	smov.u32 s1;
	s1 =	sadd.s32 $0x1000, s1;
	[sflag:s26] =	ssyncadd.s32 $0xFFFFC000  }
0x3f: {  	[tilespmem:s10], [sflag:$0x2] =	stream.linear.gather @!p2 [hbm4b:s7+s9], $0x4000, $0x38;
	[tilespmem:$0x1CC80] =	vst v63  }
0x40: {  	p1 =	sne.s32 s14, s1;
	_ =	swait.ge [sflag:s22], $0x4000  }
0x41: {  	[sflag:s22] =	ssyncset.done $0x0  }
0x42: {  	s7 =	sadd.s32 $0xFFFFFF80, s5;
	[sflag:s22] =	ssyncadd.s32 $0xFFFFC000  }
0x43: {  	[spmem:s2] =	stream.indirect.scatter.add.f32 [tilespmem:s20], [sflag:$0x3], $0x80, s7, s23, $0xb8;
	[tilespmem:$0x1CC80] =	vst v63  }
0x44: {  	_ =	swait.ge [sflag:s24], $0x4000  }
0x45: {  	[sflag:s24] =	ssyncset.done $0x0  }
0x46: {  	s7 =	sadd.s32 $0xFFFFFFFF, s0;
	[sflag:s24] =	ssyncadd.s32 $0xFFFFC000  }
0x47: {  	[spmem:s2] =	stream.indirect.scatter.add.f32 [tilespmem:s21], [sflag:$0x4], $0x80, s5, s23, $0xb8;
	[tilespmem:$0x1CC80] =	vst v63  }
0x48: {  	p2 =	sge.u32 s7, s8;
	_ =	swait.ge [sflag:s25], $0x4000  }
0x49: {  	s7 =	sadd.s32 @!p2 s11, s16;
	[sflag:s25] =	ssyncset.done $0x0  }
.Ltmp1:
0x4a: {  	s9 =	simm.s32 @!p2 $0x0;
	[sflag:s25] =	ssyncadd.s32 $0xFFFFC000;
	(pc) =	sbr.rel @p1 .LBB2_2-.Ltmp1, $4  }
0x4b: {  	s10 =	simm.s32 @!p2 $0x1400;
	s5 =	sadd.s32 $0x100, s5  }
0x4c: {  	[tilespmem:s10], [sflag:$0x1] =	stream.linear.gather @!p2 [hbm4b:s7+s9], $0x4000, $0x38;
	[tilespmem:$0x1CC80] =	vst v63  }
0x4d: {  	p2 =	sge.u32 s0, s8;
	s0 =	sadd.s32 $0x2, s0;
	_ =	swait.ge [sflag:s26], $0x4000  }
0x4e: {  	s7 =	sadd.s32 @!p2 s11, s15;
	s10 =	simm.s32 @!p2 $0x5400;
	[sflag:s26] =	ssyncset.done $0x0  }
.LBB2_3:
0x4f: {  	[sflag:s26] =	ssyncadd.s32 $0xFFFFC000;
	s9 =	simm.s32 @!p2 $0x0  }
0x50: {  	[tilespmem:s10], [sflag:$0x2] =	stream.linear.gather @!p2 [hbm4b:s7+s9], $0x4000, $0x38;
	[tilespmem:$0x1CC80] =	vst v63  }
0x51: {  	_ =	swait.ge [sflag:s22], $0x4000  }
0x52: {  	[sflag:s22] =	ssyncset.done $0x0  }
0x53: {  	s6 =	sadd.s32 $0x80, s6;
	[sflag:s22] =	ssyncadd.s32 $0xFFFFC000  }
0x54: {  	[spmem:s2] =	stream.indirect.scatter.add.f32 [tilespmem:s20], [sflag:$0x3], $0x80, s6, s23, $0xb8;
	[tilespmem:$0x1CC80] =	vst v63  }
0x55: {  	_ =	swait.ge [sflag:s24], $0x4000  }
0x56: {  	[sflag:s24] =	ssyncset.done $0x0  }
0x57: {  	s11 =	sadd.s32 $0xFFFFFFFF, s0;
	[sflag:s24] =	ssyncadd.s32 $0xFFFFC000  }
0x58: {  	[spmem:s2] =	stream.indirect.scatter.add.f32 [tilespmem:s21], [sflag:$0x4], $0x80, s5, s23, $0xb8;
	[tilespmem:$0x1CC80] =	vst v63  }
0x59: {  	p1 =	sge.u32 s11, s8;
	_ =	swait.ge [sflag:s25], $0x4000  }
0x5a: {  	s7 =	simm.s32 @!p1 $0x1400;
	[sflag:s25] =	ssyncset.done $0x0  }
0x5b: {  	s6 =	simm.s32 @!p1 $0x0;
	s5 =	sadd.s32 @!p1 s1, s16;
	[sflag:s25] =	ssyncadd.s32 $0xFFFFC000  }
0x5c: {  	[tilespmem:s7], [sflag:$0x1] =	stream.linear.gather @!p1 [hbm4b:s5+s6], $0x4000, $0x38;
	[tilespmem:$0x1CC80] =	vst v63  }
0x5d: {  	p1 =	sge.u32 s0, s8;
	_ =	swait.ge [sflag:s26], $0x4000  }
0x5e: {  	s0 =	sadd.s32 @!p1 s1, s15;
	[sflag:s26] =	ssyncset.done $0x0  }
0x5f: {  	s1 =	simm.s32 @!p1 $0x0;
	s5 =	simm.s32 @!p1 $0x5400;
	[sflag:s26] =	ssyncadd.s32 $0xFFFFC000  }
0x60: {  	[tilespmem:s5], [sflag:$0x2] =	stream.linear.gather @!p1 [hbm4b:s0+s1], $0x4000, $0x38;
	[tilespmem:$0x1CC80] =	vst v63  }
0x61: {  	[bflag:$0x0] =	sbarrier.arrive $0xFFFF  }
0x62: {  	[hbm:s12], [sflag:s31] =	dma.local @p0 [spmem:s17], $0x2800  }
0x63: {  	s28 =	sadd.s32 $0x1, s28;
	_ =	swait.ge @p0 [sflag:s30], $0x2800  }
0x64: {  	p1 =	sne.s32 s28, s13;
	[sflag:s30] =	ssyncset.done @p0 $0x0  }
.Ltmp2:
0x65: {  	s0 =	rddreg [dreg:$0x9];
	[sflag:s30] =	ssyncadd.s32 @p0 $0xFFFFD800;
	(pc) =	sbr.rel @p1 .LBB2_1-.Ltmp2, $4  }
0x66: {  	[hbm:s0], [sflag:s18] =	dma.local @!p0 [spmem:s19], $0x2700  }
0x67: {  	_ =	swait.ge @!p0 [sflag:s29], $0x2700  }
0x68: {  	[sflag:s29] =	ssyncset.done @!p0 $0x0  }
0x69: {  	[sflag:s29] =	ssyncadd.s32 @!p0 $0xFFFFD900  }
0x6a: {  	_ =	sfence.sel $0x180000  }
0x6b: {  	[bflag:$0x0] =	sbarrier.arrive $0xFFFF  }
0x6c: {  	_ =	strace $0x90000047  }
0x6d: {  	s0 =	stileid.u32;
	[bflag:$0x2] =	sbarrier.arrive $0xFFFF  }
0x6e: {  	p0 =	sne.s32 s0, $0x0;
	s0 =	rddreg [dreg:$0x3]  }
0x6f: {  	s0 =	sadd.s32 @!p0 $0x100000, s0  }
0x70: {  	[sflag:s0] =	ssyncadd.tile.s32 @!p0 $0x1;
	_ =	shalt  }
.Lfunc_end2:
_tile_overlayer_lowered:
.L_overlay_start_2:
0x71: {  	(tag) =	ssettag $0x2  }
0x72: {  	s0 =	rddreg [dreg:$0x0];
	s2 =	stileid.u32  }
0x73: {  	s1 =	rddreg [dreg:$0x1];
	p0 =	sne.s32 s2, $0x0  }
0x74: {  	s3 =	rddreg [dreg:$0x2];
	[bflag:$0x3] =	sbarrier.arrive $0xFFFF;
	s2 =	simm.s32 @!p0 $0x1C05  }
0x75: {  	[timem:s3], [sflag:s2] =	dma.local @!p0 [hbm:s0], s1  }
0x76: {  	s0 =	simm.s32 @!p0 $0x5  }
0x77: {  	_ =	swait.ge @!p0 [sflag:s0], s1  }
0x78: {  	s1 =	ssub.s32 @!p0 $0x0, s1;
	[sflag:s0] =	ssyncset.done @!p0 $0x0  }
0x79: {  	[sflag:s0] =	ssyncadd.s32 @!p0 s1  }
0x7a: {  	[bflag:$0x3] =	sbarrier.arrive $0xFFFF  }
0x7b: {  	_ =	shalt  }

// kernel: kernel.7.cloned.1.call-start
scs
__scs_entry_jumppad:
0x0: {  	(pc) =	sbr.rel $0x88, $3  }
0x1: {  	(tag) =	ssettag $0x0;
	lr =	simm.s32 $0x1  }
0x2: {  	[smem:$0x3F98] =	sst lr;
	_ =	strace $0xD0000000  }
0x3: {  	_ = 	snop  }
0x4: {  	_ = 	snop  }
0x5: {  	_ = 	snop  }
0x6: {  	_ = 	snop  }
0x7: {  	_ = 	snop  }
__scs_overlays_trampoline_lowered:
0x8: {  	[smem:$0x3FA7] =	sst s0  }
0x9: {  	[smem:$0x3FA8] =	sst s1  }
0xa: {  	[smem:$0x3FA9] =	sst s2  }
0xb: {  	[smem:$0x3FAA] =	sst s3  }
0xc: {  	[smem:$0x3FAB] =	sst s4  }
0xd: {  	[smem:$0x3FAC] =	sst s5  }
0xe: {  	[smem:$0x3FAD] =	sst s6  }
0xf: {  	[smem:$0x3FAE] =	sst s7  }
0x10: {  	[smem:$0x3FAF] =	sst s8  }
0x11: {  	[smem:$0x3FB0] =	sst s9;
	s0 =	simm.s32 @!p0 $0x0  }
0x12: {  	s1 =	sld [smem:$0x3F96];
	s0 =	simm.s32 @p0 $0x1  }
0x13: {  	[smem:$0x3FB1] =	sst s0;
	s0 =	simm.s32 @!p1 $0x0  }
0x14: {  	s2 =	sld [smem:$0x3F95];
	s0 =	simm.s32 @p1 $0x1  }
0x15: {  	[smem:$0x3FB2] =	sst s0;
	s0 =	simm.s32 @!p2 $0x0  }
0x16: {  	s3 =	sld [smem:$0x3FDB];
	s0 =	simm.s32 @p2 $0x1  }
0x17: {  	s4 =	simm.s32 $0x1BF5;
	[smem:$0x3FB4] =	sst s0  }
0x18: {  	s0 =	sld [smem:$0x3F97];
	_ =	swait.ge [sflag:s4], $0x0  }
0x19: {  	s7 =	sld [smem:$0x3F98]  }
0x1a: {  	s8 =	sadd.s32 $0xFFFFE003, lr  }
0x1b: {  	s9 =	sadd.s32 $0xFFFFFEF7, lr;
	s5 =	simm.s32 $0xFFFFFFFF;
	p2 =	slt.u32 s8, $0xFFFFF086  }
0x1c: {  	p1 =	slt.u32 s9, $0xF7A;
	s5 =	simm.s32 @!p2 $0x0  }
0x1d: {  	s5 =	simm.s32 @p1 $0x1;
	p0 =	seq.s32 s7, s2  }
0x1e: {  	s7 =	smul.u32 @!p0 $0xF7A, s2;
	p2 =	seq.s32 @!p0 s5, $0x0  }
0x1f: {  	s9 =	smul.u32 $0xF7A, s1;
	s8 =	simm.s32 @!p0 $0x1BF5;
	p2 =	por !p2, p0  }
0x20: {  	[sflag:s8] =	ssyncset.s32 @!p0 $0xFFFFF086;
	s6 =	sadd.s32 @!p0 s3, s7;
	s7 =	simm.s32 @!p0 $0x108  }
0x21: {  	s3 =	sadd.s32 s3, s9;
	s6 =	sadd.s32 @!p0 $0x88, s6;
	s7 =	simm.s32 @p2 $0x1082  }
0x22: {  	[simem:s7], [sflag:s8] =	dma.local @!p0 [hbm:s6], $0xF7A  }
0x23: {  	s9 =	sor.u32 $0xD0000000, s2;
	s6 =	simm.s32 $0x108;
	_ =	swait.ge @!p0 [sflag:s8], $0x0  }
0x24: {  	s3 =	sadd.s32 $0x88, s3;
	s6 =	simm.s32 @!p1 $0x1082;
	[sflag:s4] =	ssyncset.s32 $0xFFFFF086  }
0x25: {  	[simem:s6], [sflag:s4] =	dma.local [hbm:s3], $0xF7A  }
0x26: {  	[smem:$0x3F98] =	sst s1;
	(tag) =	ssettag s2;
	_ =	strace s9  }
0x27: {  	s1 =	sld [smem:$0x3FA8]  }
0x28: {  	s2 =	sld [smem:$0x3FA9]  }
0x29: {  	s4 =	sld [smem:$0x3FAB]  }
0x2a: {  	p0 =	seq.s32 s5, $0x0;
	s5 =	sld [smem:$0x3FAC]  }
0x2b: {  	s6 =	sld [smem:$0x3FAD]  }
0x2c: {  	s7 =	sld [smem:$0x3FAE]  }
0x2d: {  	s3 =	simm.s32 $0x108;
	s8 =	sld [smem:$0x3FAF]  }
0x2e: {  	s3 =	simm.s32 @!p0 $0x1082;
	s9 =	sld [smem:$0x3FB0]  }
0x2f: {  	lr =	sadd.s32 s0, s3;
	s0 =	sld [smem:$0x3FA7]  }
0x30: {  	s3 =	sld [smem:$0x3FAA]  }
0x31: {  	[smem:$0x3FB3] =	sst s10  }
0x32: {  	s10 =	sld [smem:$0x3FB1];
	_ =	sdelay $0x3  }
0x33: {  	p0 =	seq.s32 s10, $0x1;
	s10 =	sld [smem:$0x3FB3];
	_ =	sdelay $0x3  }
0x34: {  	[smem:$0x3FB3] =	sst s10  }
0x35: {  	s10 =	sld [smem:$0x3FB2];
	_ =	sdelay $0x3  }
0x36: {  	p1 =	seq.s32 s10, $0x1;
	s10 =	sld [smem:$0x3FB3];
	_ =	sdelay $0x3  }
0x37: {  	[smem:$0x3FB3] =	sst s10  }
0x38: {  	s10 =	sld [smem:$0x3FB4]  }
0x39: {  	_ = 	snop;
	(pc) =	sbr.ind lr, $3  }
0x3a: {  	_ = 	snop  }
0x3b: {  	_ = 	snop  }
0x3c: {  	p2 =	seq.s32 s10, $0x1;
	s10 =	sld [smem:$0x3FB3]  }
0x3d: {  	_ =	shalt  }
0x3e: {  	_ =	shalt  }
0x3f: {  	_ =	shalt  }
0x40: {  	_ =	shalt  }
0x41: {  	_ =	shalt  }
0x42: {  	_ =	shalt  }
0x43: {  	_ =	shalt  }
0x44: {  	_ =	shalt  }
0x45: {  	_ =	shalt  }
0x46: {  	_ =	shalt  }
0x47: {  	_ =	shalt  }
0x48: {  	_ =	shalt  }
0x49: {  	_ =	shalt  }
0x4a: {  	_ =	shalt  }
0x4b: {  	_ =	shalt  }
0x4c: {  	_ =	shalt  }
0x4d: {  	_ =	shalt  }
0x4e: {  	_ =	shalt  }
0x4f: {  	_ =	shalt  }
0x50: {  	_ =	shalt  }
0x51: {  	_ =	shalt  }
0x52: {  	_ =	shalt  }
0x53: {  	_ =	shalt  }
0x54: {  	_ =	shalt  }
0x55: {  	_ =	shalt  }
0x56: {  	_ =	shalt  }
0x57: {  	_ =	shalt  }
0x58: {  	_ =	shalt  }
0x59: {  	_ =	shalt  }
0x5a: {  	_ =	shalt  }
0x5b: {  	_ =	shalt  }
0x5c: {  	_ =	shalt  }
0x5d: {  	_ =	shalt  }
0x5e: {  	_ =	shalt  }
0x5f: {  	_ =	shalt  }
0x60: {  	_ =	shalt  }
0x61: {  	_ =	shalt  }
0x62: {  	_ =	shalt  }
0x63: {  	_ =	shalt  }
0x64: {  	_ =	shalt  }
0x65: {  	_ =	shalt  }
0x66: {  	_ =	shalt  }
0x67: {  	_ =	shalt  }
0x68: {  	_ =	shalt  }
0x69: {  	_ =	shalt  }
0x6a: {  	_ =	shalt  }
0x6b: {  	_ =	shalt  }
0x6c: {  	_ =	shalt  }
0x6d: {  	_ =	shalt  }
0x6e: {  	_ =	shalt  }
0x6f: {  	_ =	shalt  }
0x70: {  	_ =	shalt  }
0x71: {  	_ =	shalt  }
0x72: {  	_ =	shalt  }
0x73: {  	_ =	shalt  }
0x74: {  	_ =	shalt  }
0x75: {  	_ =	shalt  }
0x76: {  	_ =	shalt  }
0x77: {  	_ =	shalt  }
0x78: {  	_ =	shalt  }
0x79: {  	_ =	shalt  }
0x7a: {  	_ =	shalt  }
0x7b: {  	_ =	shalt  }
0x7c: {  	_ =	shalt  }
0x7d: {  	_ =	shalt  }
0x7e: {  	_ =	shalt  }
0x7f: {  	_ =	shalt  }
0x80: {  	_ =	shalt  }
0x81: {  	_ =	shalt  }
0x82: {  	_ =	shalt  }
0x83: {  	_ =	shalt  }
0x84: {  	_ =	shalt  }
0x85: {  	_ =	shalt  }
0x86: {  	_ =	shalt  }
0x87: {  	_ =	shalt  }
.Lfunc_end0:
.L_simem_size_0:
called_computation_lowered:
.L_overlay_start_0:
0x88: {  	s2 =	sld [smem:$0x3FD9]  }
0x89: {  	s3 =	sld [smem:$0x3FFE];
	_ =	sdelay $0x1  }
0x8a: {  	s1 =	srdreg.scid  }
0x8b: {  	s0 =	sand.u32 $0x1, s1  }
0x8c: {  	s17 =	sshll.u32 s0, $0xA;
	s2 =	sadd.s32 s3, s2  }
0x8d: {  	s2 =	sadd.s32 s2, s17  }
0x8e: {  	[smem:$0x3FBF] =	sst s2  }
0x8f: {  	_ = 	snop  }
0x90: {  	s18 =	sld [smem:$0x3FD0];
	(tm) =	ssettm $0x1  }
0x91: {  	s19 =	sld [smem:$0x3FFB];
	_ =	sdelay $0x3  }
0x92: {  	_ =	strace s19  }
0x93: {  	s2 =	sld [smem:$0x3FFC];
	_ =	sdelay $0x3  }
0x94: {  	_ =	strace s2  }
0x95: {  	s2 =	sld [smem:$0x3FFD];
	_ =	sdelay $0x3  }
0x96: {  	_ =	strace s2  }
0x97: {  	_ =	strace $0x8FFFFFFF  }
0x98: {  	s20 =	sld [smem:$0x3FDB];
	_ =	sdelay $0x1  }
0x99: {  	s4 =	simm.s32 $_scs_section_size  }
0x9a: {  	s5 =	simm.s32 $_size__tile_overlayer_lowered;
	s6 =	simm.s32 $_tile_overlayer_lowered  }
0x9b: {  	s7 =	simm.s32 $0x1BFF;
	s21 =	sshll.u32 s6, $0x1;
	s4 =	sadd.s32 s4, s20  }
0x9c: {  	s22 =	simm.s32 $0x0;
	s5 =	sshll.u32 s5, $0x1;
	s6 =	sadd.s32 s21, s4  }
0x9d: {  	[timem:s22], [sflag:s7] =	dma.local [hbm:s6], s5  }
0x9e: {  	_ =	swait.ge [sflag:s7], s5  }
0x9f: {  	s5 =	ssub.s32 $0x0, s5;
	[sflag:s7] =	ssyncset.done $0x0  }
0xa0: {  	[sflag:s7] =	ssyncadd.s32 s5;
	_ =	sdelay $0x1  }
0xa1: {  	s23 =	simm.s32 $0x1B8B  }
0xa2: {  	_ =	swait.ge [sflag:s23], $0x1  }
0xa3: {  	[sflag:s23] =	ssyncset.done $0x0  }
0xa4: {  	[sflag:s23] =	ssyncadd.s32 $0xFFFFFFFF  }
0xa5: {  	s5 =	sld [smem:$0x0]  }
0xa6: {  	s6 =	sand.u32 $0xFFFFFFFE, s1  }
0xa7: {  	p0 =	sne.s32 s1, s6  }
0xa8: {  	s6 =	sshll.u32 @p0 s6, $0xE  }
0xa9: {  	s6 =	sadd.s32 @p0 $0x11B8D, s6;
	s7 =	sshll.u32 @p0 s5, $0x11  }
0xaa: {  	s6 =	sor.u32 @p0 s7, s6  }
0xab: {  	[sflag:s6] =	ssyncadd.remote.s32 @p0 $0x1;
	_ =	sdelay $0x1  }
0xac: {  	s6 =	simm.s32 @p0 $0x1B8D  }
0xad: {  	_ =	swait.eq @p0 [sflag:s6], $0x1  }
0xae: {  	[sflag:s6] =	ssyncadd.s32 @p0 $0xFFFFFFFF  }
0xaf: {  	s7 =	sshll.u32 @!p0 s1, $0xE  }
0xb0: {  	s7 =	sor.u32 @!p0 $0x4000, s7;
	s6 =	simm.s32 @!p0 $0x1B8D  }
0xb1: {  	s5 =	sshll.u32 @!p0 s5, $0x11;
	s7 =	sadd.s32 @!p0 $0x11B8D, s7;
	_ =	swait.eq @!p0 [sflag:s6], $0x1  }
0xb2: {  	s5 =	sor.u32 @!p0 s5, s7;
	[sflag:s6] =	ssyncadd.s32 @!p0 $0xFFFFFFFF  }
0xb3: {  	s25 =	simm.s32 $0x1B8E;
	s24 =	sld [smem:$0x3FFE];
	[sflag:s5] =	ssyncadd.remote.s32 @!p0 $0x1  }
0xb4: {  	s26 =	simm.s32 $execute0_lowered;
	[smem:$0x3FD2] =	sst s25  }
0xb5: {  	s6 =	sshll.u32 s26, $0x1;
	_ =	strace $0x80000049;
	[dreg:$0x1] =	wrdreg $0xFFFFFFFF  }
0xb6: {  	s28 =	simm.s32 $_size_execute0_lowered;
	s4 =	sadd.s32 s4, s6;
	[dreg:$0x0] =	wrdreg $0x0  }
0xb7: {  	s6 =	sshll.u32 s28, $0x1;
	[dreg:$0x2] =	wrdreg s4  }
0xb8: {  	[dreg:$0x3] =	wrdreg s6  }
0xb9: {  	[dreg:$0x4] =	wrdreg $0xC0  }
0xba: {  	_ =	task [dreg:s22], $0x5FFFF  }
0xbb: {  	[dreg:$0x1] =	wrdreg $0xFFFFFFFF  }
0xbc: {  	[dreg:$0x0] =	wrdreg $0x60  }
0xbd: {  	[dreg:$0x2] =	wrdreg s24  }
0xbe: {  	[dreg:$0x3] =	wrdreg s18  }
0xbf: {  	[dreg:$0x4] =	wrdreg $0x94000  }
0xc0: {  	[dreg:$0x5] =	wrdreg $0x9  }
0xc1: {  	_ =	task.clear_ibuf [dreg:s22], $0x6FFFF;
	_ =	strace $0x90000049  }
0xc2: {  	s29 =	simm.s32 $0x9;
	_ =	strace $0x8000004B  }
0xc3: {  	_ =	swait.ge [sflag:s29], $0x1  }
0xc4: {  	[sflag:s29] =	ssyncadd.s32 $0xFFFFFFFF  }
0xc5: {  	_ =	strace $0x9000004B  }
0xc6: {  	_ =	sfence  }
0xc7: {  	s30 =	sld [smem:$0x0];
	_ =	sdelay $0x2  }
0xc8: {  	s31 =	sshll.u32 s1, $0xD;
	s1 =	sshrl.u32 s1, $0x2  }
0xc9: {  	s4 =	sand.u32 $0x4000, s31;
	s1 =	sadd.s32 s1, s30  }
0xca: {  	s0 =	sor.u32 s4, s0;
	s1 =	sshll.u32 s1, $0x11  }
0xcb: {  	s0 =	sor.u32 s1, s0  }
0xcc: {  	s0 =	sadd.s32 $0x8F2B, s0  }
0xcd: {  	[sflag:s0] =	ssyncadd.remote.s32 $0x1  }
0xce: {  	_ =	sfence.sel $0xFFFF  }
0xcf: {  	[dreg:$0x0] =	wrdreg $0xFFFFFFFF;
	(pc) =	sbr.abs _section_cstart, $3  }
0xd0: {  	[dreg:$0x1] =	wrdreg $0xFFFFFFFF  }
0xd1: {  	_ =	task.clear_ibuf [dreg:s22], $0x2FFFF;
	_ =	strace $0x9FFFFFFF  }
0xd2: {  	(tm) =	ssettm $0x7FFFFFFF  }
0xd3: {  	_ =	shalt  }
tec
execute0_lowered:
.L_overlay_start_1:
0x0: {  	(tag) =	ssettag $0x1  }
0x1: {  	s0 =	rddreg [dreg:$0x0]  }
0x2: {  	s1 =	rddreg [dreg:$0x1];
	s16 =	stileid.u32  }
0x3: {  	s3 =	srdreg.scid;
	s21 =	smul.u32 $0x4E000, s16  }
0x4: {  	s2 =	rddreg [dreg:$0x2];
	s14 =	simm.s32 $0x5;
	s11 =	smul.u32 $0x2700, s16  }
0x5: {  	s5 =	sand.u32 $0x1, s3;
	s4 =	sshll.u32 s16, $0x1;
	s24 =	smul.u32 $0x13800, s16  }
0x6: {  	s3 =	simm.s32 $0x0;
	s7 =	sadd.s32 $0x2C5E00, s0;
	s12 =	smul.u32 $0x50, s16  }
0x7: {  	s17 =	sadd.s32 $0x124800, s2;
	s6 =	sor.u32 s5, s4;
	s23 =	smul.u32 $0x138800, s5  }
0x8: {  	[smem:$0x7FF] =	sst s3;
	s8 =	ssub.s32 $0x2, s5;
	s5 =	smul.u32 $0x28, s5  }
0x9: {  	s28 =	simm.s32 $0x0;
	s4 =	smul.u32 $0x280, s6;
	_ =	strace $0x8000004A  }
0xa: {  	s20 =	sshrl.u32 s8, $0x1;
	p0 =	seq.s32 s6, $0x1F;
	s6 =	smul.u32 $0x14000, s6  }
0xb: {  	s22 =	sadd.s32 s1, s11;
	s1 =	sadd.s32 $0x24900, s1;
	s10 =	ssub.s32 s8, s20  }
0xc: {  	s14 =	simm.s32 @!p0 $0x14;
	s8 =	sshrl.u32 s21, $0x2;
	[dreg:$0x4] =	wrdreg s22  }
0xd: {  	[dreg:$0x5] =	wrdreg s1;
	s1 =	sadd.s32 s24, s23;
	s26 =	sshrl.u32 s23, $0x3  }
0xe: {  	s29 =	sadd.s32 s5, s12;
	p0 =	seq.s32 s16, $0xF;
	s20 =	simm.s32 $0x1400  }
0xf: {  	s21 =	simm.s32 $0x5400;
	s22 =	simm.s32 $0x1;
	s23 =	simm.s32 $0x80  }
0x10: {  	s24 =	simm.s32 $0x2;
	s9 =	sadd.s32 s4, s0;
	s0 =	sadd.s32 $0x53BE00, s0  }
0x11: {  	s4 =	simm.s32 $0x5;
	s19 =	sadd.s32 s8, s2;
	s8 =	sshll.u32 s14, $0x1  }
0x12: {  	s6 =	sadd.s32 s7, s6;
	s1 =	sshrl.u32 s1, $0x3;
	s13 =	smax.u32 s10, $0x1  }
0x13: {  	s30 =	sshll.u32 s29, $0xB;
	s31 =	sshll.u32 s14, $0xC;
	s17 =	sshrl.u32 @p0 s17, $0x3  }
0x14: {  	s25 =	sadd.s32 $0x536E00, s9;
	[dreg:$0x7] =	wrdreg s6;
	s6 =	sadd.s32 $0x800, s6  }
0x15: {  	s1 =	sadd.s32 s0, s1;
	s0 =	sadd.s32 s0, s26;
	[dreg:$0x6] =	wrdreg s25  }
0x16: {  	s14 =	sadd.s32 $0xFFFFF000, s31;
	s19 =	sshrl.u32 @!p0 s19, $0x3;
	[dreg:$0x8] =	wrdreg s6  }
0x17: {  	s26 =	simm.s32 $0x4;
	[dreg:$0x9] =	wrdreg s1;
	s12 =	sadd.s32 $0x24900, s0  }
0x18: {  	s0 =	sadd.s32 s30, s7;
	s1 =	sshll.u32 @!p0 s16, $0x6;
	s25 =	simm.s32 $0x3  }
0x19: {  	s15 =	sadd.s32 $0x1800, s0;
	s16 =	sadd.s32 $0x1000, s0;
	s18 =	sor.u32 @!p0 $0x1C05, s1  }
.LBB2_1:
0x1a: {  	s31 =	simm.s32 @p0 $0x1FC5;
	s0 =	rddreg [dreg:$0x5];
	s30 =	simm.s32 @p0 $0x5  }
0x1b: {  	[spmem:s17], [sflag:s31] =	dma.local @p0 [hbm:s0], $0x2800  }
0x1c: {  	_ =	swait.ge @p0 [sflag:s30], $0x2800  }
0x1d: {  	[sflag:s30] =	ssyncset.done @p0 $0x0  }
0x1e: {  	s29 =	simm.s32 @!p0 $0x5;
	s0 =	rddreg [dreg:$0x4];
	[sflag:s30] =	ssyncadd.s32 @p0 $0xFFFFD800  }
0x1f: {  	[spmem:s19], [sflag:s18] =	dma.local @!p0 [hbm:s0], $0x2700  }
0x20: {  	_ =	swait.ge @!p0 [sflag:s29], $0x2700  }
0x21: {  	[sflag:s29] =	ssyncset.done @!p0 $0x0  }
0x22: {  	s7 =	rddreg [dreg:$0x6];
	[sflag:s29] =	ssyncadd.s32 @!p0 $0xFFFFD900  }
0x23: {  	[tilespmem:s3], [sflag:$0x5] =	stream.linear.gather [hbm4b:s7+s3], $0x1400, $0x38;
	[tilespmem:$0x1CC80] =	vst v63  }
0x24: {  	_ =	swait.ge [sflag:s4], $0x1400  }
0x25: {  	[sflag:s4] =	ssyncset.done $0x0  }
0x26: {  	s9 =	rddreg [dreg:$0x7];
	[sflag:s4] =	ssyncadd.s32 $0xFFFFEC00  }
0x27: {  	[tilespmem:s20], [sflag:$0x1] =	stream.linear.gather [hbm4b:s9+s3], $0x4000, $0x38;
	[tilespmem:$0x1CC80] =	vst v63  }
0x28: {  	s10 =	rddreg [dreg:$0x8]  }
0x29: {  	[tilespmem:s21], [sflag:$0x2] =	stream.linear.gather [hbm4b:s10+s3], $0x4000, $0x38;
	[tilespmem:$0x1CC80] =	vst v63  }
0x2a: {  	[bflag:$0x0] =	sbarrier.arrive $0xFFFF  }
0x2b: {  	_ =	swait.ge [sflag:s22], $0x4000  }
0x2c: {  	[sflag:s22] =	ssyncset.done $0x0  }
0x2d: {  	s11 =	simm.s32 $0x0;
	[sflag:s22] =	ssyncadd.s32 $0xFFFFC000  }
0x2e: {  	[spmem:s2] =	stream.indirect.scatter.add.f32 [tilespmem:s20], [sflag:$0x3], $0x80, s11, s23, $0xb8;
	[tilespmem:$0x1CC80] =	vst v63  }
0x2f: {  	_ =	swait.ge [sflag:s24], $0x4000  }
0x30: {  	[sflag:s24] =	ssyncset.done $0x0  }
0x31: {  	[sflag:s24] =	ssyncadd.s32 $0xFFFFC000  }
0x32: {  	[spmem:s2] =	stream.indirect.scatter.add.f32 [tilespmem:s21], [sflag:$0x4], $0x80, s23, s23, $0xb8;
	[tilespmem:$0x1CC80] =	vst v63  }
0x33: {  	p1 =	sle.u32 s8, $0x2;
	_ =	swait.ge [sflag:s25], $0x4000  }
0x34: {  	s5 =	simm.s32 @!p1 $0x0;
	[sflag:s25] =	ssyncset.done $0x0  }
0x35: {  	s6 =	simm.s32 @!p1 $0x1400;
	s0 =	sadd.s32 @!p1 $0x0, s16;
	[sflag:s25] =	ssyncadd.s32 $0xFFFFC000  }
0x36: {  	[tilespmem:s6], [sflag:$0x1] =	stream.linear.gather @!p1 [hbm4b:s0+s5], $0x4000, $0x38;
	[tilespmem:$0x1CC80] =	vst v63  }
0x37: {  	p1 =	sne.s32 s14, $0x1000  }
.Ltmp0:
0x38: {  	_ = 	snop;
	(pc) =	sbr.rel @!p1 .LBB2_3-.Ltmp0, $4  }
0x39: {  	p2 =	sle.u32 s8, $0x3  }
0x3a: {  	s1 =	simm.s32 $0x1000;
	s7 =	sadd.s32 @!p2 $0x0, s15  }
0x3b: {  	s10 =	simm.s32 @!p2 $0x5400;
	s5 =	simm.s32 $0x180;
	_ =	swait.ge [sflag:s26], $0x4000  }
0x3c: {  	s0 =	simm.s32 $0x5;
	s6 =	simm.s32 $0x80;
	[sflag:s26] =	ssyncset.done $0x0  }
.LBB2_2:
0x3d: {  	s6 =	smov.u32 s5;
	s9 =	simm.s32 @!p2 $0x0  }
0x3e: {  	s11 =	smov.u32 s1;
	s1 =	sadd.s32 $0x1000, s1;
	[sflag:s26] =	ssyncadd.s32 $0xFFFFC000  }
0x3f: {  	[tilespmem:s10], [sflag:$0x2] =	stream.linear.gather @!p2 [hbm4b:s7+s9], $0x4000, $0x38;
	[tilespmem:$0x1CC80] =	vst v63  }
0x40: {  	p1 =	sne.s32 s14, s1;
	_ =	swait.ge [sflag:s22], $0x4000  }
0x41: {  	[sflag:s22] =	ssyncset.done $0x0  }
0x42: {  	s7 =	sadd.s32 $0xFFFFFF80, s5;
	[sflag:s22] =	ssyncadd.s32 $0xFFFFC000  }
0x43: {  	[spmem:s2] =	stream.indirect.scatter.add.f32 [tilespmem:s20], [sflag:$0x3], $0x80, s7, s23, $0xb8;
	[tilespmem:$0x1CC80] =	vst v63  }
0x44: {  	_ =	swait.ge [sflag:s24], $0x4000  }
0x45: {  	[sflag:s24] =	ssyncset.done $0x0  }
0x46: {  	s7 =	sadd.s32 $0xFFFFFFFF, s0;
	[sflag:s24] =	ssyncadd.s32 $0xFFFFC000  }
0x47: {  	[spmem:s2] =	stream.indirect.scatter.add.f32 [tilespmem:s21], [sflag:$0x4], $0x80, s5, s23, $0xb8;
	[tilespmem:$0x1CC80] =	vst v63  }
0x48: {  	p2 =	sge.u32 s7, s8;
	_ =	swait.ge [sflag:s25], $0x4000  }
0x49: {  	s7 =	sadd.s32 @!p2 s11, s16;
	[sflag:s25] =	ssyncset.done $0x0  }
.Ltmp1:
0x4a: {  	s9 =	simm.s32 @!p2 $0x0;
	[sflag:s25] =	ssyncadd.s32 $0xFFFFC000;
	(pc) =	sbr.rel @p1 .LBB2_2-.Ltmp1, $4  }
0x4b: {  	s10 =	simm.s32 @!p2 $0x1400;
	s5 =	sadd.s32 $0x100, s5  }
0x4c: {  	[tilespmem:s10], [sflag:$0x1] =	stream.linear.gather @!p2 [hbm4b:s7+s9], $0x4000, $0x38;
	[tilespmem:$0x1CC80] =	vst v63  }
0x4d: {  	p2 =	sge.u32 s0, s8;
	s0 =	sadd.s32 $0x2, s0;
	_ =	swait.ge [sflag:s26], $0x4000  }
0x4e: {  	s7 =	sadd.s32 @!p2 s11, s15;
	s10 =	simm.s32 @!p2 $0x5400;
	[sflag:s26] =	ssyncset.done $0x0  }
.LBB2_3:
0x4f: {  	[sflag:s26] =	ssyncadd.s32 $0xFFFFC000;
	s9 =	simm.s32 @!p2 $0x0  }
0x50: {  	[tilespmem:s10], [sflag:$0x2] =	stream.linear.gather @!p2 [hbm4b:s7+s9], $0x4000, $0x38;
	[tilespmem:$0x1CC80] =	vst v63  }
0x51: {  	_ =	swait.ge [sflag:s22], $0x4000  }
0x52: {  	[sflag:s22] =	ssyncset.done $0x0  }
0x53: {  	s6 =	sadd.s32 $0x80, s6;
	[sflag:s22] =	ssyncadd.s32 $0xFFFFC000  }
0x54: {  	[spmem:s2] =	stream.indirect.scatter.add.f32 [tilespmem:s20], [sflag:$0x3], $0x80, s6, s23, $0xb8;
	[tilespmem:$0x1CC80] =	vst v63  }
0x55: {  	_ =	swait.ge [sflag:s24], $0x4000  }
0x56: {  	[sflag:s24] =	ssyncset.done $0x0  }
0x57: {  	s11 =	sadd.s32 $0xFFFFFFFF, s0;
	[sflag:s24] =	ssyncadd.s32 $0xFFFFC000  }
0x58: {  	[spmem:s2] =	stream.indirect.scatter.add.f32 [tilespmem:s21], [sflag:$0x4], $0x80, s5, s23, $0xb8;
	[tilespmem:$0x1CC80] =	vst v63  }
0x59: {  	p1 =	sge.u32 s11, s8;
	_ =	swait.ge [sflag:s25], $0x4000  }
0x5a: {  	s7 =	simm.s32 @!p1 $0x1400;
	[sflag:s25] =	ssyncset.done $0x0  }
0x5b: {  	s6 =	simm.s32 @!p1 $0x0;
	s5 =	sadd.s32 @!p1 s1, s16;
	[sflag:s25] =	ssyncadd.s32 $0xFFFFC000  }
0x5c: {  	[tilespmem:s7], [sflag:$0x1] =	stream.linear.gather @!p1 [hbm4b:s5+s6], $0x4000, $0x38;
	[tilespmem:$0x1CC80] =	vst v63  }
0x5d: {  	p1 =	sge.u32 s0, s8;
	_ =	swait.ge [sflag:s26], $0x4000  }
0x5e: {  	s0 =	sadd.s32 @!p1 s1, s15;
	[sflag:s26] =	ssyncset.done $0x0  }
0x5f: {  	s1 =	simm.s32 @!p1 $0x0;
	s5 =	simm.s32 @!p1 $0x5400;
	[sflag:s26] =	ssyncadd.s32 $0xFFFFC000  }
0x60: {  	[tilespmem:s5], [sflag:$0x2] =	stream.linear.gather @!p1 [hbm4b:s0+s1], $0x4000, $0x38;
	[tilespmem:$0x1CC80] =	vst v63  }
0x61: {  	[bflag:$0x0] =	sbarrier.arrive $0xFFFF  }
0x62: {  	[hbm:s12], [sflag:s31] =	dma.local @p0 [spmem:s17], $0x2800  }
0x63: {  	s28 =	sadd.s32 $0x1, s28;
	_ =	swait.ge @p0 [sflag:s30], $0x2800  }
0x64: {  	p1 =	sne.s32 s28, s13;
	[sflag:s30] =	ssyncset.done @p0 $0x0  }
.Ltmp2:
0x65: {  	s0 =	rddreg [dreg:$0x9];
	[sflag:s30] =	ssyncadd.s32 @p0 $0xFFFFD800;
	(pc) =	sbr.rel @p1 .LBB2_1-.Ltmp2, $4  }
0x66: {  	[hbm:s0], [sflag:s18] =	dma.local @!p0 [spmem:s19], $0x2700  }
0x67: {  	_ =	swait.ge @!p0 [sflag:s29], $0x2700  }
0x68: {  	[sflag:s29] =	ssyncset.done @!p0 $0x0  }
0x69: {  	[sflag:s29] =	ssyncadd.s32 @!p0 $0xFFFFD900  }
0x6a: {  	_ =	sfence.sel $0x180000  }
0x6b: {  	[bflag:$0x0] =	sbarrier.arrive $0xFFFF  }
0x6c: {  	_ =	strace $0x9000004A  }
0x6d: {  	s0 =	stileid.u32;
	[bflag:$0x2] =	sbarrier.arrive $0xFFFF  }
0x6e: {  	p0 =	sne.s32 s0, $0x0;
	s0 =	rddreg [dreg:$0x3]  }
0x6f: {  	s0 =	sadd.s32 @!p0 $0x100000, s0  }
0x70: {  	[sflag:s0] =	ssyncadd.tile.s32 @!p0 $0x1;
	_ =	shalt  }
.Lfunc_end2:
_tile_overlayer_lowered:
.L_overlay_start_2:
0x71: {  	(tag) =	ssettag $0x2  }
0x72: {  	s0 =	rddreg [dreg:$0x0];
	s2 =	stileid.u32  }
0x73: {  	s1 =	rddreg [dreg:$0x1];
	p0 =	sne.s32 s2, $0x0  }
0x74: {  	s3 =	rddreg [dreg:$0x2];
	[bflag:$0x3] =	sbarrier.arrive $0xFFFF;
	s2 =	simm.s32 @!p0 $0x1C05  }
0x75: {  	[timem:s3], [sflag:s2] =	dma.local @!p0 [hbm:s0], s1  }
0x76: {  	s0 =	simm.s32 @!p0 $0x5  }
0x77: {  	_ =	swait.ge @!p0 [sflag:s0], s1  }
0x78: {  	s1 =	ssub.s32 @!p0 $0x0, s1;
	[sflag:s0] =	ssyncset.done @!p0 $0x0  }
0x79: {  	[sflag:s0] =	ssyncadd.s32 @!p0 s1  }
0x7a: {  	[bflag:$0x3] =	sbarrier.arrive $0xFFFF  }
0x7b: {  	_ =	shalt  }

</sc_bundles>
